<compile_context>
chip_gen: v7x
topology: tpu7x:2x2x1
jax: 0.10.2.dev20260603
libtpu: 0.0.44.dev20260713+nightly
codegen_flags: <defaults>
</compile_context>

<pallas_src>
import functools

import jax
import jax.numpy as jnp
from jax import lax
from jax.experimental import pallas as pl
from jax.experimental.pallas import tpu as pltpu
from jax.experimental.pallas import tpu_sc as plsc

N = 10000
E = 160000
H = 256
BLK = 256
N_PAD = 10240
HH = 128
NT = 16
ROWS_PER_TILE = N_PAD // NT
E_PER_TILE = E // NT
CH = 80
NCH = E_PER_TILE // CH


def _sc_sum_body(h_lo, h_hi, src0, dst0, src1, dst1, zrows, zcnt,
                 s0l, s0h, s1l, s1h, c0, c1,
                 acc, cnt_acc, src_v, dst_v, rows_a, rows_b, ones_v,
                 sga, sgb):
    c = lax.axis_index("c")
    s = lax.axis_index("s")
    for i in range(CH // 16):
        ones_v[pl.ds(i * 16, 16)] = jnp.full((16,), 1.0, jnp.float32)

    def edge_loop(src_r, dst_r, h_tab, count):
        pltpu.sync_copy(src_r.at[pl.ds(s * E_PER_TILE, E_PER_TILE)], src_v)
        pltpu.sync_copy(dst_r.at[pl.ds(s * E_PER_TILE, E_PER_TILE)], dst_v)
        rows = (rows_a, rows_b)
        sems = (sga, sgb)
        pltpu.async_copy(h_tab.at[src_v.at[pl.ds(0, CH)]], rows_a, sga)

        def do(j, b):
            @pl.when(j + 1 < NCH)
            def _():
                pltpu.async_copy(
                    h_tab.at[src_v.at[pl.ds((j + 1) * CH, CH)]],
                    rows[1 - b], sems[1 - b])
            pltpu.make_async_copy(
                h_tab.at[src_v.at[pl.ds(j * CH, CH)]], rows[b],
                sems[b]).wait()
            pltpu.sync_copy(rows[b], acc.at[dst_v.at[pl.ds(j * CH, CH)]],
                            add=True)
            if count:
                pltpu.sync_copy(ones_v,
                                cnt_acc.at[dst_v.at[pl.ds(j * CH, CH)]],
                                add=True)

        def pair(jj, carry):
            do(jj * 2, 0)
            do(jj * 2 + 1, 1)
            return carry
        lax.fori_loop(0, NCH // 2, pair, 0)
        do(NCH - 1, 0)

    row0 = s * ROWS_PER_TILE
    for (src_r, dst_r, out_l, out_h, cnt_out) in (
            (src0, dst0, s0l, s0h, c0), (src1, dst1, s1l, s1h, c1)):
        pltpu.sync_copy(zrows, acc.at[pl.ds(row0, ROWS_PER_TILE)])

        @pl.when(c == 0)
        def _():
            pltpu.sync_copy(zcnt, cnt_acc.at[pl.ds(row0, ROWS_PER_TILE)])
        plsc.subcore_barrier()

        @pl.when(c == 0)
        def _():
            edge_loop(src_r, dst_r, h_lo, True)

        @pl.when(c == 1)
        def _():
            edge_loop(src_r, dst_r, h_hi, False)
        plsc.subcore_barrier()

        @pl.when(c == 0)
        def _():
            pltpu.sync_copy(acc.at[pl.ds(row0, ROWS_PER_TILE)],
                            out_l.at[pl.ds(row0, ROWS_PER_TILE)])
            pltpu.sync_copy(cnt_acc.at[pl.ds(row0, ROWS_PER_TILE)],
                            cnt_out.at[pl.ds(row0, ROWS_PER_TILE)])

        @pl.when(c == 1)
        def _():
            pltpu.sync_copy(acc.at[pl.ds(row0, ROWS_PER_TILE)],
                            out_h.at[pl.ds(row0, ROWS_PER_TILE)])
        plsc.subcore_barrier()


@functools.partial(jax.jit, donate_argnums=())
def _sc_sum(h_lo, h_hi, src0, dst0, src1, dst1):
    f32 = jnp.float32
    zrows = jnp.zeros((ROWS_PER_TILE, HH), f32)
    zcnt = jnp.zeros((ROWS_PER_TILE,), f32)
    out_type = [jax.ShapeDtypeStruct((N_PAD, HH), f32) for _ in range(4)] + \
               [jax.ShapeDtypeStruct((N_PAD,), f32) for _ in range(2)]
    scratch = [
        pltpu.VMEM_SHARED((N_PAD, HH), f32),
        pltpu.VMEM_SHARED((N_PAD,), f32),
        pltpu.VMEM((E_PER_TILE,), jnp.int32),
        pltpu.VMEM((E_PER_TILE,), jnp.int32),
        pltpu.VMEM((CH, HH), f32),
        pltpu.VMEM((CH, HH), f32),
        pltpu.VMEM((CH,), f32),
        pltpu.SemaphoreType.DMA,
        pltpu.SemaphoreType.DMA,
    ]
    fn = pl.kernel(
        _sc_sum_body,
        out_type=out_type,
        compiler_params=pltpu.CompilerParams(needs_layout_passes=False),
        mesh=plsc.VectorSubcoreMesh(core_axis_name="c", subcore_axis_name="s"),
        scratch_types=scratch,
    )
    return fn(h_lo, h_hi, src0, dst0, src1, dst1, zrows, zcnt)


def _h_kernel(x_ref, wt_ref, b_ref, h_ref):
    h_ref[...] = jax.nn.relu(
        jnp.dot(x_ref[...], wt_ref[...], preferred_element_type=jnp.float32)
        + b_ref[...]
    )


def _compute_h(x_pad, W_init, b_init):
    wt = W_init.T
    b2 = b_init.reshape(1, H)
    grid = (N_PAD // BLK,)
    return pl.pallas_call(
        _h_kernel,
        grid=grid,
        in_specs=[
            pl.BlockSpec((BLK, H), lambda i: (i, 0)),
            pl.BlockSpec((H, H), lambda i: (0, 0)),
            pl.BlockSpec((1, H), lambda i: (0, 0)),
        ],
        out_specs=pl.BlockSpec((BLK, H), lambda i: (i, 0)),
        out_shape=jax.ShapeDtypeStruct((N_PAD, H), jnp.float32),
    )(x_pad, wt, b2)


def _final_kernel(h_ref, s0l_ref, s0h_ref, m0_ref, s1l_ref, s1h_ref, m1_ref,
                  c0_ref, c1_ref,
                  wlm0_ref, wrm0_ref, wlx0_ref, wrx0_ref,
                  wlm1_ref, wrm1_ref, wlx1_ref, wrx1_ref,
                  wadj_ref, wp0_ref, wp1_ref, wp2_ref, wp3_ref,
                  blm0_ref, blx0_ref, blm1_ref, blx1_ref,
                  badj_ref, bpost_ref, out_ref):
    h = h_ref[...]
    f32 = jnp.float32

    def dot(a, b):
        return jnp.dot(a, b, preferred_element_type=f32)

    inv0 = 1.0 / jnp.maximum(c0_ref[...], 1.0)
    inv1 = 1.0 / jnp.maximum(c1_ref[...], 1.0)

    def mean_dot(sl_ref, sh_ref, inv, w_ref):
        return (dot(sl_ref[...] * inv, w_ref[:HH, :])
                + dot(sh_ref[...] * inv, w_ref[HH:, :]))

    a0 = jax.nn.relu(mean_dot(s0l_ref, s0h_ref, inv0, wlm0_ref)
                     + blm0_ref[...] + dot(h, wrm0_ref[...]))
    b0 = jax.nn.relu(dot(m0_ref[...].astype(f32), wlx0_ref[...])
                     + blx0_ref[...] + dot(h, wrx0_ref[...]))
    a1 = jax.nn.relu(mean_dot(s1l_ref, s1h_ref, inv1, wlm1_ref)
                     + blm1_ref[...] + dot(h, wrm1_ref[...]))
    b1 = jax.nn.relu(dot(m1_ref[...].astype(f32), wlx1_ref[...])
                     + blx1_ref[...] + dot(h, wrx1_ref[...]))

    wadj = wadj_ref[...]
    badj = badj_ref[...]
    ym0 = dot(a0, wadj) + badj
    yx0 = dot(b0, wadj) + badj
    ym1 = dot(a1, wadj) + badj
    yx1 = dot(b1, wadj) + badj

    logits = (dot(ym0, wp0_ref[...]) + dot(yx0, wp1_ref[...])
              + dot(ym1, wp2_ref[...]) + dot(yx1, wp3_ref[...])
              + bpost_ref[...])

    mx = jnp.max(logits, axis=1, keepdims=True)
    z = logits - mx
    lse = jnp.log(jnp.sum(jnp.exp(z), axis=1, keepdims=True))
    out_ref[...] = z - lse


def _final_stage(h_pad, s0l, s0h, m0, s1l, s1h, m1, c0, c1,
                 Wl_mean0, bl_mean0, Wr_mean0, Wl_max0, bl_max0, Wr_max0,
                 Wl_mean1, bl_mean1, Wr_mean1, Wl_max1, bl_max1, Wr_max1,
                 W_adj, b_adj, W_post, b_post):
    grid = (N_PAD // BLK,)
    row_spec = pl.BlockSpec((BLK, H), lambda i: (i, 0))
    half_spec = pl.BlockSpec((BLK, HH), lambda i: (i, 0))
    col_spec = pl.BlockSpec((BLK, 1), lambda i: (i, 0))
    w_spec = pl.BlockSpec((H, H), lambda i: (0, 0))
    b_spec = pl.BlockSpec((1, H), lambda i: (0, 0))
    wp = [W_post[:, k * H:(k + 1) * H].T for k in range(4)]
    return pl.pallas_call(
        _final_kernel,
        grid=grid,
        in_specs=([row_spec, half_spec, half_spec, row_spec,
                   half_spec, half_spec, row_spec]
                  + [col_spec] * 2 + [w_spec] * 13 + [b_spec] * 6),
        out_specs=row_spec,
        out_shape=jax.ShapeDtypeStruct((N_PAD, H), jnp.float32),
    )(h_pad, s0l, s0h, m0, s1l, s1h, m1,
      c0.reshape(N_PAD, 1), c1.reshape(N_PAD, 1),
      Wl_mean0.T, Wr_mean0.T, Wl_max0.T, Wr_max0.T,
      Wl_mean1.T, Wr_mean1.T, Wl_max1.T, Wr_max1.T,
      W_adj.T, wp[0], wp[1], wp[2], wp[3],
      bl_mean0.reshape(1, H), bl_max0.reshape(1, H),
      bl_mean1.reshape(1, H), bl_max1.reshape(1, H),
      b_adj.reshape(1, H), b_post.reshape(1, H))


NW = 32
RNG = N_PAD // NW
TRASH = RNG
HW = 128
SCAN_C = 16000
N_CHUNK = E // SCAN_C
GC = 64
CM_CAP = SCAN_C + GC


def _sc_max_body(hw_hbm, src0, dst0, src1, dst1, zmax,
                 m0, m1,
                 acc, dbuf, sbuf, cm_src, cm_dst, rows0, sg0):
    i32 = jnp.int32
    c = lax.axis_index("c")
    s = lax.axis_index("s")
    w = s * 2 + c
    lo = w * RNG
    iota = lax.iota(i32, 16)
    zeros16 = jnp.zeros((16,), i32)

    def init_cm(i, _):
        cm_src[pl.ds(i * 16, 16)] = zeros16
        return 0
    lax.fori_loop(0, CM_CAP // 16, init_cm, 0)

    def scan_group(g, nm_vec):
        dv = dbuf[pl.ds(g * 16, 16)]
        sv = sbuf[pl.ds(g * 16, 16)]
        dl = dv - lo
        m = (dl >= 0) & (dl < RNG)
        incl = plsc.cumsum(m.astype(i32))
        pos = nm_vec + incl - 1
        plsc.store_scatter(cm_src, [pos], sv, mask=m)
        plsc.store_scatter(cm_dst, [pos], dl, mask=m)
        return nm_vec + plsc.all_reduce_population_count(m)

    def rmw_group(rows_v, off2):
        dlv = cm_dst[pl.ds(off2, 16)]
        for k in range(16):
            dl = dlv[k]
            e = off2 % GC + k
            for f in range(HW // 16):
                a = acc[dl, pl.ds(f * 16, 16)]
                mg = rows_v[e, pl.ds(f * 16, 16)]
                r = jnp.maximum(plsc.bitcast(a, jnp.bfloat16),
                                plsc.bitcast(mg, jnp.bfloat16))
                acc[dl, pl.ds(f * 16, 16)] = plsc.bitcast(r, i32)

    def layer(src_r, dst_r, out_r):
        pltpu.sync_copy(zmax, acc)

        def chunk(j, _):
            off = j * SCAN_C
            pltpu.sync_copy(dst_r.at[pl.ds(off, SCAN_C)], dbuf)
            pltpu.sync_copy(src_r.at[pl.ds(off, SCAN_C)], sbuf)

            def grp4(jj, nm_vec):
                for k in range(4):
                    nm_vec = scan_group(jj * 4 + k, nm_vec)
                return nm_vec
            nm_vec = lax.fori_loop(0, SCAN_C // 64, grp4,
                                   jnp.zeros((16,), i32))
            nm = jnp.max(nm_vec)
            trash_splat = jnp.full((16,), TRASH, i32)
            plsc.store_scatter(cm_dst, [nm + iota], trash_splat)
            nm16 = (nm + 15) // 16 * 16
            n_sub = (nm16 + GC - 1) // GC

            def sub(s2, _):
                pltpu.async_copy(
                    hw_hbm.at[cm_src.at[pl.ds(s2 * GC, GC)]], rows0,
                    sg0).wait()
                ng = jnp.minimum(GC // 16, (nm16 - s2 * GC) // 16)

                def grp(gg, _):
                    rmw_group(rows0, s2 * GC + gg * 16)
                    return 0
                lax.fori_loop(0, ng, grp, 0)
                return 0
            lax.fori_loop(0, n_sub, sub, 0)
            return 0
        lax.fori_loop(0, N_CHUNK, chunk, 0)
        pltpu.sync_copy(acc.at[pl.ds(0, RNG)], out_r.at[pl.ds(lo, RNG)])

    layer(src0, dst0, m0)
    layer(src1, dst1, m1)


def _sc_max(hw, src0, dst0, src1, dst1):
    i32 = jnp.int32
    zmax = jnp.zeros((RNG + 1, HW), i32)
    out_type = [jax.ShapeDtypeStruct((N_PAD, HW), i32) for _ in range(2)]
    scratch = [
        pltpu.VMEM((RNG + 1, HW), i32),
        pltpu.VMEM((SCAN_C,), i32),
        pltpu.VMEM((SCAN_C,), i32),
        pltpu.VMEM((CM_CAP,), i32),
        pltpu.VMEM((CM_CAP,), i32),
        pltpu.VMEM((GC, HW), i32),
        pltpu.SemaphoreType.DMA,
    ]
    fn = pl.kernel(
        _sc_max_body,
        out_type=out_type,
        compiler_params=pltpu.CompilerParams(needs_layout_passes=False),
        mesh=plsc.VectorSubcoreMesh(core_axis_name="c", subcore_axis_name="s"),
        scratch_types=scratch,
    )
    return fn(hw, src0, dst0, src1, dst1, zmax)


def kernel(x, edge_index0, edge_index1, W_init, b_init,
           Wl_mean0, bl_mean0, Wr_mean0, Wl_max0, bl_max0, Wr_max0,
           Wl_mean1, bl_mean1, Wr_mean1, Wl_max1, bl_max1, Wr_max1,
           W_adj, b_adj, W_post, b_post):
    x_pad = jnp.pad(x, ((0, N_PAD - N), (0, 0)))
    h_pad = _compute_h(x_pad, W_init, b_init)
    h_lo = h_pad[:, :HH] + 0.0
    h_hi = h_pad[:, HH:] + 0.0
    hw = jax.lax.bitcast_convert_type(
        h_pad.astype(jnp.bfloat16).reshape(N_PAD, HW, 2), jnp.int32)
    s0l, s0h, s1l, s1h, c0, c1 = _sc_sum(
        h_lo, h_hi, edge_index0[0], edge_index0[1],
        edge_index1[0], edge_index1[1])
    m0w, m1w = _sc_max(hw, edge_index0[0], edge_index0[1],
                       edge_index1[0], edge_index1[1])
    m0 = jax.lax.bitcast_convert_type(m0w, jnp.bfloat16).reshape(N_PAD, H)
    m1 = jax.lax.bitcast_convert_type(m1w, jnp.bfloat16).reshape(N_PAD, H)
    out = _final_stage(h_pad, s0l, s0h, m0, s1l, s1h, m1, c0, c1,
                       Wl_mean0, bl_mean0, Wr_mean0, Wl_max0, bl_max0, Wr_max0,
                       Wl_mean1, bl_mean1, Wr_mean1, Wl_max1, bl_max1, Wr_max1,
                       W_adj, b_adj, W_post, b_post)
    return out[:N]

# --- scband reference (transcript-rebuilt; emitter-appended) ---
"""Pipeline reference for scband-graph-sageplus-plus-damc-23364622090398 (READ-ONLY COPY).

The authoritative reference and input builder live on the scoring server;
editing this copy changes nothing except your own understanding.
"""

import jax, jax.numpy as jnp
import numpy as np

N = 10000
E = 160000
D_IN = 256
H = 256
D_OUT = 256


def _lin(key, out_d, in_d):
    return jax.random.normal(key, (out_d, in_d), dtype=jnp.float32) * 0.05


def _vec(key, d):
    return jax.random.normal(key, (d,), dtype=jnp.float32) * 0.05


def setup_inputs(seed: int = 0) -> dict:
    key = jax.random.key(seed)
    ks = jax.random.split(key, 32)
    inp = {}
    inp['x'] = jax.random.normal(ks[0], (N, D_IN), dtype=jnp.float32)
    inp['edge_index0'] = jax.random.randint(ks[1], (2, E), 0, N, dtype=jnp.int32)
    inp['edge_index1'] = jax.random.randint(ks[2], (2, E), 0, N, dtype=jnp.int32)
    inp['W_init'] = _lin(ks[3], H, D_IN)
    inp['b_init'] = _vec(ks[4], H)
    inp['Wl_mean0'] = _lin(ks[5], H, H)
    inp['bl_mean0'] = _vec(ks[6], H)
    inp['Wr_mean0'] = _lin(ks[7], H, H)
    inp['Wl_max0'] = _lin(ks[8], H, H)
    inp['bl_max0'] = _vec(ks[9], H)
    inp['Wr_max0'] = _lin(ks[10], H, H)
    inp['Wl_mean1'] = _lin(ks[11], H, H)
    inp['bl_mean1'] = _vec(ks[12], H)
    inp['Wr_mean1'] = _lin(ks[13], H, H)
    inp['Wl_max1'] = _lin(ks[14], H, H)
    inp['bl_max1'] = _vec(ks[15], H)
    inp['Wr_max1'] = _lin(ks[16], H, H)
    inp['W_adj'] = _lin(ks[17], H, H)
    inp['b_adj'] = _vec(ks[18], H)
    inp['W_post'] = _lin(ks[19], D_OUT, 4 * H)
    inp['b_post'] = _vec(ks[20], D_OUT)
    return inp


def _sage(h, src, dst, Wl, bl, Wr, aggr):
    msgs = h[src]
    if aggr == 'mean':
        s = jax.ops.segment_sum(msgs, dst, num_segments=N)
        cnt = jax.ops.segment_sum(jnp.ones((src.shape[0],), jnp.float32), dst, num_segments=N)
        agg = s / jnp.clip(cnt, 1.0, None)[:, None]
    else:
        agg = jax.ops.segment_max(msgs, dst, num_segments=N)
        agg = jnp.where(jnp.isneginf(agg), 0.0, agg)
    return agg @ Wl.T + bl + h @ Wr.T


def reference(x, edge_index0, edge_index1, W_init, b_init,
              Wl_mean0, bl_mean0, Wr_mean0, Wl_max0, bl_max0, Wr_max0,
              Wl_mean1, bl_mean1, Wr_mean1, Wl_max1, bl_max1, Wr_max1,
              W_adj, b_adj, W_post, b_post):
    h = jax.nn.relu(x @ W_init.T + b_init)
    layers = []
    layer_params = [
        (edge_index0, Wl_mean0, bl_mean0, Wr_mean0, Wl_max0, bl_max0, Wr_max0),
        (edge_index1, Wl_mean1, bl_mean1, Wr_mean1, Wl_max1, bl_max1, Wr_max1),
    ]
    for (ei, Wlm, blm, Wrm, Wlx, blx, Wrx) in layer_params:
        src, dst = ei[0], ei[1]
        x_mean = jax.nn.relu(_sage(h, src, dst, Wlm, blm, Wrm, 'mean'))
        x_max = jax.nn.relu(_sage(h, src, dst, Wlx, blx, Wrx, 'max'))
        x_mean = x_mean @ W_adj.T + b_adj
        x_max = x_max @ W_adj.T + b_adj
        layers.append(x_mean)
        layers.append(x_max)
    x_final = jnp.concatenate(layers, axis=1) @ W_post.T + b_post
    return jax.nn.log_softmax(x_final[:N], axis=-1)

if __name__ == "__main__":
    import jax
    _d = setup_inputs()
    print(jax.jit(kernel)(*tuple(_d.values())))

</pallas_src>

<mosaic_0001>
#map = affine_map<(d0, d1) -> (0, 0)>
#map1 = affine_map<(d0, d1) -> (0)>
module attributes {stable_mosaic.version = 14 : i64} {
  func.func @_sc_sum_body(%arg0: i32, %arg1: i32, %arg2: memref<10240x128xf32, #tpu.memory_space<hbm>>, %arg3: memref<10240x128xf32, #tpu.memory_space<hbm>>, %arg4: memref<160000xi32, #tpu.memory_space<hbm>>, %arg5: memref<160000xi32, #tpu.memory_space<hbm>>, %arg6: memref<160000xi32, #tpu.memory_space<hbm>>, %arg7: memref<160000xi32, #tpu.memory_space<hbm>>, %arg8: memref<640x128xf32, #tpu.memory_space<hbm>>, %arg9: memref<640xf32, #tpu.memory_space<hbm>>, %arg10: memref<10240x128xf32, #tpu.memory_space<hbm>>, %arg11: memref<10240x128xf32, #tpu.memory_space<hbm>>, %arg12: memref<10240x128xf32, #tpu.memory_space<hbm>>, %arg13: memref<10240x128xf32, #tpu.memory_space<hbm>>, %arg14: memref<10240xf32, #tpu.memory_space<hbm>>, %arg15: memref<10240xf32, #tpu.memory_space<hbm>>, %arg16: memref<10240x128xf32, #tpu.memory_space<vmem_shared>>, %arg17: memref<10240xf32, #tpu.memory_space<vmem_shared>>, %arg18: memref<10000xi32, #tpu.memory_space<vmem>>, %arg19: memref<10000xi32, #tpu.memory_space<vmem>>, %arg20: memref<80x128xf32, #tpu.memory_space<vmem>>, %arg21: memref<80x128xf32, #tpu.memory_space<vmem>>, %arg22: memref<80xf32, #tpu.memory_space<vmem>>, %arg23: memref<!tpu.dma_semaphore, #tpu.memory_space<semaphore_mem>>, %arg24: memref<!tpu.dma_semaphore, #tpu.memory_space<semaphore_mem>>) attributes {dimension_semantics = [#tpu.dimension_semantics<core_parallel>, #tpu.dimension_semantics<subcore_parallel>], iteration_bounds = array<i64: 2, 16>, scalar_prefetch = 0 : i64, scratch_operands = 9 : i64, tpu.core_type = #tpu.core_type<sc_vector_subcore>, window_params = [{transform_indices = #map}, {transform_indices = #map}, {transform_indices = #map1}, {transform_indices = #map1}, {transform_indices = #map1}, {transform_indices = #map1}, {transform_indices = #map}, {transform_indices = #map1}, {transform_indices = #map}, {transform_indices = #map}, {transform_indices = #map}, {transform_indices = #map}, {transform_indices = #map1}, {transform_indices = #map1}]} {
    %broadcast_in_dim3A = arith.constant 1.000000e+00 : f32
    %broadcast_in_dim3A_0 = vector.broadcast %broadcast_in_dim3A : f32 to vector<16xf32>
    %swap3A = arith.constant 0 : index
    %swap3A_1 = tpu.vector_load %arg22[%swap3A] {strides = array<i32>} : memref<80xf32, #tpu.memory_space<vmem>>, vector<16xf32>,
    tpu.vector_store %arg22[%swap3A], %broadcast_in_dim3A_0 {strides = array<i32>} : memref<80xf32, #tpu.memory_space<vmem>>, vector<16xf32>,
    %broadcast_in_dim3A_2 = arith.constant 1.000000e+00 : f32
    %broadcast_in_dim3A_3 = vector.broadcast %broadcast_in_dim3A_2 : f32 to vector<16xf32>
    %swap3A_4 = arith.constant 16 : index
    %swap3A_5 = tpu.vector_load %arg22[%swap3A_4] {strides = array<i32>} : memref<80xf32, #tpu.memory_space<vmem>>, vector<16xf32>,
    tpu.vector_store %arg22[%swap3A_4], %broadcast_in_dim3A_3 {strides = array<i32>} : memref<80xf32, #tpu.memory_space<vmem>>, vector<16xf32>,
    %broadcast_in_dim3A_6 = arith.constant 1.000000e+00 : f32
    %broadcast_in_dim3A_7 = vector.broadcast %broadcast_in_dim3A_6 : f32 to vector<16xf32>
    %swap3A_8 = arith.constant 32 : index
    %swap3A_9 = tpu.vector_load %arg22[%swap3A_8] {strides = array<i32>} : memref<80xf32, #tpu.memory_space<vmem>>, vector<16xf32>,
    tpu.vector_store %arg22[%swap3A_8], %broadcast_in_dim3A_7 {strides = array<i32>} : memref<80xf32, #tpu.memory_space<vmem>>, vector<16xf32>,
    %broadcast_in_dim3A_10 = arith.constant 1.000000e+00 : f32
    %broadcast_in_dim3A_11 = vector.broadcast %broadcast_in_dim3A_10 : f32 to vector<16xf32>
    %swap3A_12 = arith.constant 48 : index
    %swap3A_13 = tpu.vector_load %arg22[%swap3A_12] {strides = array<i32>} : memref<80xf32, #tpu.memory_space<vmem>>, vector<16xf32>,
    tpu.vector_store %arg22[%swap3A_12], %broadcast_in_dim3A_11 {strides = array<i32>} : memref<80xf32, #tpu.memory_space<vmem>>, vector<16xf32>,
    %broadcast_in_dim3A_14 = arith.constant 1.000000e+00 : f32
    %broadcast_in_dim3A_15 = vector.broadcast %broadcast_in_dim3A_14 : f32 to vector<16xf32>
    %swap3A_16 = arith.constant 64 : index
    %swap3A_17 = tpu.vector_load %arg22[%swap3A_16] {strides = array<i32>} : memref<80xf32, #tpu.memory_space<vmem>>, vector<16xf32>,
    tpu.vector_store %arg22[%swap3A_16], %broadcast_in_dim3A_15 {strides = array<i32>} : memref<80xf32, #tpu.memory_space<vmem>>, vector<16xf32>,
    %mul3A = arith.constant 640 : i32
    %mul3A_18 = arith.muli %arg1, %mul3A : i32
    "tpu.region"() ({
      %run_scoped3A = tpu.sem_alloc : memref<!tpu.dma_semaphore, #tpu.memory_space<semaphore_mem>>
      %dma_start3A = arith.constant 0 : i32
      %dma_start3A_71 = tpu.memref_slice %arg16[%mul3A_18, %dma_start3A] : memref<10240x128xf32, #tpu.memory_space<vmem_shared>> -> memref<640x128xf32, #tpu.memory_space<vmem_shared>>
      tpu.enqueue_dma source(%arg8 : memref<640x128xf32, #tpu.memory_space<hbm>>) target(%dma_start3A_71 : memref<640x128xf32, #tpu.memory_space<vmem_shared>>) target_semaphore(%run_scoped3A : memref<!tpu.dma_semaphore, #tpu.memory_space<semaphore_mem>>)
      %dma_wait3A = arith.constant 0 : i32
      %dma_wait3A_72 = tpu.memref_slice %arg16[%mul3A_18, %dma_wait3A] : memref<10240x128xf32, #tpu.memory_space<vmem_shared>> -> memref<640x128xf32, #tpu.memory_space<vmem_shared>>
      tpu.wait_dma2 semaphore(%run_scoped3A : memref<!tpu.dma_semaphore, #tpu.memory_space<semaphore_mem>>) src(%arg8 : memref<640x128xf32, #tpu.memory_space<hbm>>) dst(%dma_wait3A_72 : memref<640x128xf32, #tpu.memory_space<vmem_shared>>)
      tpu.yield
    }) : () -> ()
    %eq3A = arith.constant 0 : i32
    %eq3A_19 = arith.cmpi eq, %arg0, %eq3A : i32
    %convert_element_type3A = arith.extui %eq3A_19 : i1 to i32
    %cond3A = arith.constant 0 : i32
    %cond3A_20 = arith.cmpi ne, %convert_element_type3A, %cond3A : i32
    scf.if %cond3A_20 {
      "tpu.region"() ({
        %run_scoped3A = tpu.sem_alloc : memref<!tpu.dma_semaphore, #tpu.memory_space<semaphore_mem>>
        %dma_start3A = tpu.memref_slice %arg17[%mul3A_18] : memref<10240xf32, #tpu.memory_space<vmem_shared>> -> memref<640xf32, #tpu.memory_space<vmem_shared>>
        tpu.enqueue_dma source(%arg9 : memref<640xf32, #tpu.memory_space<hbm>>) target(%dma_start3A : memref<640xf32, #tpu.memory_space<vmem_shared>>) target_semaphore(%run_scoped3A : memref<!tpu.dma_semaphore, #tpu.memory_space<semaphore_mem>>)
        %dma_wait3A = tpu.memref_slice %arg17[%mul3A_18] : memref<10240xf32, #tpu.memory_space<vmem_shared>> -> memref<640xf32, #tpu.memory_space<vmem_shared>>
        tpu.wait_dma2 semaphore(%run_scoped3A : memref<!tpu.dma_semaphore, #tpu.memory_space<semaphore_mem>>) src(%arg9 : memref<640xf32, #tpu.memory_space<hbm>>) dst(%dma_wait3A : memref<640xf32, #tpu.memory_space<vmem_shared>>)
        tpu.yield
      }) : () -> ()
    } else {
    }
    %barrier3A = arith.constant 0 : index
    tpu.barrier barrier_id(%barrier3A)
    %eq3A_21 = arith.constant 0 : i32
    %eq3A_22 = arith.cmpi eq, %arg0, %eq3A_21 : i32
    %convert_element_type3A_23 = arith.extui %eq3A_22 : i1 to i32
    %cond3A_24 = arith.constant 0 : i32
    %cond3A_25 = arith.cmpi ne, %convert_element_type3A_23, %cond3A_24 : i32
    scf.if %cond3A_25 {
      %mul3A_71 = arith.constant 10000 : i32
      %mul3A_72 = arith.muli %arg1, %mul3A_71 : i32
      "tpu.region"() ({
        %run_scoped3A = tpu.sem_alloc : memref<!tpu.dma_semaphore, #tpu.memory_space<semaphore_mem>>
        %dma_start3A_88 = tpu.memref_slice %arg4[%mul3A_72] : memref<160000xi32, #tpu.memory_space<hbm>> -> memref<10000xi32, #tpu.memory_space<hbm>>
        %dma_start3A_89 = tpu.memref_slice %arg4[%mul3A_72] : memref<160000xi32, #tpu.memory_space<hbm>> -> memref<10000xi32, #tpu.memory_space<hbm>>
        tpu.enqueue_dma source(%dma_start3A_89 : memref<10000xi32, #tpu.memory_space<hbm>>) target(%arg18 : memref<10000xi32, #tpu.memory_space<vmem>>) target_semaphore(%run_scoped3A : memref<!tpu.dma_semaphore, #tpu.memory_space<semaphore_mem>>)
        %dma_wait3A_90 = tpu.memref_slice %arg4[%mul3A_72] : memref<160000xi32, #tpu.memory_space<hbm>> -> memref<10000xi32, #tpu.memory_space<hbm>>
        %dma_wait3A_91 = tpu.memref_slice %arg4[%mul3A_72] : memref<160000xi32, #tpu.memory_space<hbm>> -> memref<10000xi32, #tpu.memory_space<hbm>>
        tpu.wait_dma2 semaphore(%run_scoped3A : memref<!tpu.dma_semaphore, #tpu.memory_space<semaphore_mem>>) src(%dma_wait3A_91 : memref<10000xi32, #tpu.memory_space<hbm>>) dst(%arg18 : memref<10000xi32, #tpu.memory_space<vmem>>)
        tpu.yield
      }) : () -> ()
      %mul3A_73 = arith.constant 10000 : i32
      %mul3A_74 = arith.muli %arg1, %mul3A_73 : i32
      "tpu.region"() ({
        %run_scoped3A = tpu.sem_alloc : memref<!tpu.dma_semaphore, #tpu.memory_space<semaphore_mem>>
        %dma_start3A_88 = tpu.memref_slice %arg5[%mul3A_74] : memref<160000xi32, #tpu.memory_space<hbm>> -> memref<10000xi32, #tpu.memory_space<hbm>>
        %dma_start3A_89 = tpu.memref_slice %arg5[%mul3A_74] : memref<160000xi32, #tpu.memory_space<hbm>> -> memref<10000xi32, #tpu.memory_space<hbm>>
        tpu.enqueue_dma source(%dma_start3A_89 : memref<10000xi32, #tpu.memory_space<hbm>>) target(%arg19 : memref<10000xi32, #tpu.memory_space<vmem>>) target_semaphore(%run_scoped3A : memref<!tpu.dma_semaphore, #tpu.memory_space<semaphore_mem>>)
        %dma_wait3A_90 = tpu.memref_slice %arg5[%mul3A_74] : memref<160000xi32, #tpu.memory_space<hbm>> -> memref<10000xi32, #tpu.memory_space<hbm>>
        %dma_wait3A_91 = tpu.memref_slice %arg5[%mul3A_74] : memref<160000xi32, #tpu.memory_space<hbm>> -> memref<10000xi32, #tpu.memory_space<hbm>>
        tpu.wait_dma2 semaphore(%run_scoped3A : memref<!tpu.dma_semaphore, #tpu.memory_space<semaphore_mem>>) src(%dma_wait3A_91 : memref<10000xi32, #tpu.memory_space<hbm>>) dst(%arg19 : memref<10000xi32, #tpu.memory_space<vmem>>)
        tpu.yield
      }) : () -> ()
      %dma_start3A = arith.constant 0 : i32
      %dma_start3A_75 = tpu.memref_slice %arg18[%dma_start3A] : memref<10000xi32, #tpu.memory_space<vmem>> -> memref<80xi32, #tpu.memory_space<vmem>>
      %dma_start3A_76 = arith.constant 0 : i32
      %dma_start3A_77 = arith.constant 0 : i32
      %dma_start3A_78 = tpu.memref_slice %arg2[%dma_start3A_76, %dma_start3A_77] : memref<10240x128xf32, #tpu.memory_space<hbm>> -> memref<10240x128xf32, #tpu.memory_space<hbm>>
      tpu.enqueue_indirect_dma source(%dma_start3A_78 : memref<10240x128xf32, #tpu.memory_space<hbm>>) target(%arg20 : memref<80x128xf32, #tpu.memory_space<vmem>>) offsets(%dma_start3A_75 : memref<80xi32, #tpu.memory_space<vmem>>) semaphore(%arg23 : memref<!tpu.dma_semaphore, #tpu.memory_space<semaphore_mem>>)
      %scan3A = arith.constant 0 : i32
      %scan3A_79 = arith.constant 0 : i32
      %scan3A_80 = arith.constant 62 : i32
      %scan3A_81 = arith.addi %scan3A_79, %scan3A_80 : i32
      %scan3A_82 = arith.constant 1 : i32
      scf.for %scan3A_88 = %scan3A_79 to %scan3A_81 step %scan3A_82  : i32 {
        %mul3A_89 = arith.constant 2 : i32
        %mul3A_90 = arith.muli %scan3A_88, %mul3A_89 : i32
        %add3A = arith.constant 1 : i32
        %add3A_91 = arith.addi %mul3A_90, %add3A : i32
        %lt3A = arith.constant 125 : i32
        %lt3A_92 = arith.cmpi slt, %add3A_91, %lt3A : i32
        %convert_element_type3A_93 = arith.extui %lt3A_92 : i1 to i32
        %cond3A_94 = arith.constant 0 : i32
        %cond3A_95 = arith.cmpi ne, %convert_element_type3A_93, %cond3A_94 : i32
        scf.if %cond3A_95 {
          %add3A_127 = arith.constant 1 : i32
          %add3A_128 = arith.addi %mul3A_90, %add3A_127 : i32
          %mul3A_129 = arith.constant 80 : i32
          %mul3A_130 = arith.muli %add3A_128, %mul3A_129 : i32
          %dma_start3A_131 = tpu.memref_slice %arg18[%mul3A_130] : memref<10000xi32, #tpu.memory_space<vmem>> -> memref<80xi32, #tpu.memory_space<vmem>>
          %dma_start3A_132 = arith.constant 0 : i32
          %dma_start3A_133 = arith.constant 0 : i32
          %dma_start3A_134 = tpu.memref_slice %arg2[%dma_start3A_132, %dma_start3A_133] : memref<10240x128xf32, #tpu.memory_space<hbm>> -> memref<10240x128xf32, #tpu.memory_space<hbm>>
          tpu.enqueue_indirect_dma source(%dma_start3A_134 : memref<10240x128xf32, #tpu.memory_space<hbm>>) target(%arg21 : memref<80x128xf32, #tpu.memory_space<vmem>>) offsets(%dma_start3A_131 : memref<80xi32, #tpu.memory_space<vmem>>) semaphore(%arg24 : memref<!tpu.dma_semaphore, #tpu.memory_space<semaphore_mem>>)
        } else {
        }
        %mul3A_96 = arith.constant 80 : i32
        %mul3A_97 = arith.muli %mul3A_90, %mul3A_96 : i32
        %dma_wait3A_98 = tpu.memref_slice %arg18[%mul3A_97] : memref<10000xi32, #tpu.memory_space<vmem>> -> memref<80xi32, #tpu.memory_space<vmem>>
        %dma_wait3A_99 = arith.constant 0 : i32
        %dma_wait3A_100 = arith.constant 0 : i32
        %dma_wait3A_101 = tpu.memref_slice %arg2[%dma_wait3A_99, %dma_wait3A_100] : memref<10240x128xf32, #tpu.memory_space<hbm>> -> memref<10240x128xf32, #tpu.memory_space<hbm>>
        tpu.wait_indirect_dma semaphore(%arg23 : memref<!tpu.dma_semaphore, #tpu.memory_space<semaphore_mem>>) src(%dma_wait3A_101 : memref<10240x128xf32, #tpu.memory_space<hbm>>) dst(%arg20 : memref<80x128xf32, #tpu.memory_space<vmem>>)
        %mul3A_102 = arith.constant 80 : i32
        %mul3A_103 = arith.muli %mul3A_90, %mul3A_102 : i32
        "tpu.region"() ({
          %run_scoped3A = tpu.sem_alloc : memref<!tpu.dma_semaphore, #tpu.memory_space<semaphore_mem>>
          %dma_start3A_127 = tpu.memref_slice %arg19[%mul3A_103] : memref<10000xi32, #tpu.memory_space<vmem>> -> memref<80xi32, #tpu.memory_space<vmem>>
          %dma_start3A_128 = arith.constant 0 : i32
          %dma_start3A_129 = arith.constant 0 : i32
          %dma_start3A_130 = tpu.memref_slice %arg16[%dma_start3A_128, %dma_start3A_129] : memref<10240x128xf32, #tpu.memory_space<vmem_shared>> -> memref<10240x128xf32, #tpu.memory_space<vmem_shared>>
          tpu.enqueue_indirect_dma source(%arg20 : memref<80x128xf32, #tpu.memory_space<vmem>>) target(%dma_start3A_130 : memref<10240x128xf32, #tpu.memory_space<vmem_shared>>) offsets(%dma_start3A_127 : memref<80xi32, #tpu.memory_space<vmem>>) semaphore(%run_scoped3A : memref<!tpu.dma_semaphore, #tpu.memory_space<semaphore_mem>>) {add = true}
          %dma_wait3A_131 = tpu.memref_slice %arg19[%mul3A_103] : memref<10000xi32, #tpu.memory_space<vmem>> -> memref<80xi32, #tpu.memory_space<vmem>>
          %dma_wait3A_132 = arith.constant 0 : i32
          %dma_wait3A_133 = arith.constant 0 : i32
          %dma_wait3A_134 = tpu.memref_slice %arg16[%dma_wait3A_132, %dma_wait3A_133] : memref<10240x128xf32, #tpu.memory_space<vmem_shared>> -> memref<10240x128xf32, #tpu.memory_space<vmem_shared>>
          tpu.wait_indirect_dma semaphore(%run_scoped3A : memref<!tpu.dma_semaphore, #tpu.memory_space<semaphore_mem>>) src(%arg20 : memref<80x128xf32, #tpu.memory_space<vmem>>) dst(%dma_wait3A_134 : memref<10240x128xf32, #tpu.memory_space<vmem_shared>>)
          tpu.yield
        }) : () -> ()
        %mul3A_104 = arith.constant 80 : i32
        %mul3A_105 = arith.muli %mul3A_90, %mul3A_104 : i32
        "tpu.region"() ({
          %run_scoped3A = tpu.sem_alloc : memref<!tpu.dma_semaphore, #tpu.memory_space<semaphore_mem>>
          %dma_start3A_127 = tpu.memref_slice %arg19[%mul3A_105] : memref<10000xi32, #tpu.memory_space<vmem>> -> memref<80xi32, #tpu.memory_space<vmem>>
          %dma_start3A_128 = arith.constant 0 : i32
          %dma_start3A_129 = tpu.memref_slice %arg17[%dma_start3A_128] : memref<10240xf32, #tpu.memory_space<vmem_shared>> -> memref<10240xf32, #tpu.memory_space<vmem_shared>>
          tpu.enqueue_indirect_dma source(%arg22 : memref<80xf32, #tpu.memory_space<vmem>>) target(%dma_start3A_129 : memref<10240xf32, #tpu.memory_space<vmem_shared>>) offsets(%dma_start3A_127 : memref<80xi32, #tpu.memory_space<vmem>>) semaphore(%run_scoped3A : memref<!tpu.dma_semaphore, #tpu.memory_space<semaphore_mem>>) {add = true}
          %dma_wait3A_130 = tpu.memref_slice %arg19[%mul3A_105] : memref<10000xi32, #tpu.memory_space<vmem>> -> memref<80xi32, #tpu.memory_space<vmem>>
          %dma_wait3A_131 = arith.constant 0 : i32
          %dma_wait3A_132 = tpu.memref_slice %arg17[%dma_wait3A_131] : memref<10240xf32, #tpu.memory_space<vmem_shared>> -> memref<10240xf32, #tpu.memory_space<vmem_shared>>
          tpu.wait_indirect_dma semaphore(%run_scoped3A : memref<!tpu.dma_semaphore, #tpu.memory_space<semaphore_mem>>) src(%arg22 : memref<80xf32, #tpu.memory_space<vmem>>) dst(%dma_wait3A_132 : memref<10240xf32, #tpu.memory_space<vmem_shared>>)
          tpu.yield
        }) : () -> ()
        %mul3A_106 = arith.constant 2 : i32
        %mul3A_107 = arith.muli %scan3A_88, %mul3A_106 : i32
        %add3A_108 = arith.constant 1 : i32
        %add3A_109 = arith.addi %mul3A_107, %add3A_108 : i32
        %add3A_110 = arith.constant 1 : i32
        %add3A_111 = arith.addi %add3A_109, %add3A_110 : i32
        %lt3A_112 = arith.constant 125 : i32
        %lt3A_113 = arith.cmpi slt, %add3A_111, %lt3A_112 : i32
        %convert_element_type3A_114 = arith.extui %lt3A_113 : i1 to i32
        %cond3A_115 = arith.constant 0 : i32
        %cond3A_116 = arith.cmpi ne, %convert_element_type3A_114, %cond3A_115 : i32
        scf.if %cond3A_116 {
          %add3A_127 = arith.constant 1 : i32
          %add3A_128 = arith.addi %add3A_109, %add3A_127 : i32
          %mul3A_129 = arith.constant 80 : i32
          %mul3A_130 = arith.muli %add3A_128, %mul3A_129 : i32
          %dma_start3A_131 = tpu.memref_slice %arg18[%mul3A_130] : memref<10000xi32, #tpu.memory_space<vmem>> -> memref<80xi32, #tpu.memory_space<vmem>>
          %dma_start3A_132 = arith.constant 0 : i32
          %dma_start3A_133 = arith.constant 0 : i32
          %dma_start3A_134 = tpu.memref_slice %arg2[%dma_start3A_132, %dma_start3A_133] : memref<10240x128xf32, #tpu.memory_space<hbm>> -> memref<10240x128xf32, #tpu.memory_space<hbm>>
          tpu.enqueue_indirect_dma source(%dma_start3A_134 : memref<10240x128xf32, #tpu.memory_space<hbm>>) target(%arg20 : memref<80x128xf32, #tpu.memory_space<vmem>>) offsets(%dma_start3A_131 : memref<80xi32, #tpu.memory_space<vmem>>) semaphore(%arg23 : memref<!tpu.dma_semaphore, #tpu.memory_space<semaphore_mem>>)
        } else {
        }
        %mul3A_117 = arith.constant 80 : i32
        %mul3A_118 = arith.muli %add3A_109, %mul3A_117 : i32
        %dma_wait3A_119 = tpu.memref_slice %arg18[%mul3A_118] : memref<10000xi32, #tpu.memory_space<vmem>> -> memref<80xi32, #tpu.memory_space<vmem>>
        %dma_wait3A_120 = arith.constant 0 : i32
        %dma_wait3A_121 = arith.constant 0 : i32
        %dma_wait3A_122 = tpu.memref_slice %arg2[%dma_wait3A_120, %dma_wait3A_121] : memref<10240x128xf32, #tpu.memory_space<hbm>> -> memref<10240x128xf32, #tpu.memory_space<hbm>>
        tpu.wait_indirect_dma semaphore(%arg24 : memref<!tpu.dma_semaphore, #tpu.memory_space<semaphore_mem>>) src(%dma_wait3A_122 : memref<10240x128xf32, #tpu.memory_space<hbm>>) dst(%arg21 : memref<80x128xf32, #tpu.memory_space<vmem>>)
        %mul3A_123 = arith.constant 80 : i32
        %mul3A_124 = arith.muli %add3A_109, %mul3A_123 : i32
        "tpu.region"() ({
          %run_scoped3A = tpu.sem_alloc : memref<!tpu.dma_semaphore, #tpu.memory_space<semaphore_mem>>
          %dma_start3A_127 = tpu.memref_slice %arg19[%mul3A_124] : memref<10000xi32, #tpu.memory_space<vmem>> -> memref<80xi32, #tpu.memory_space<vmem>>
          %dma_start3A_128 = arith.constant 0 : i32
          %dma_start3A_129 = arith.constant 0 : i32
          %dma_start3A_130 = tpu.memref_slice %arg16[%dma_start3A_128, %dma_start3A_129] : memref<10240x128xf32, #tpu.memory_space<vmem_shared>> -> memref<10240x128xf32, #tpu.memory_space<vmem_shared>>
          tpu.enqueue_indirect_dma source(%arg21 : memref<80x128xf32, #tpu.memory_space<vmem>>) target(%dma_start3A_130 : memref<10240x128xf32, #tpu.memory_space<vmem_shared>>) offsets(%dma_start3A_127 : memref<80xi32, #tpu.memory_space<vmem>>) semaphore(%run_scoped3A : memref<!tpu.dma_semaphore, #tpu.memory_space<semaphore_mem>>) {add = true}
          %dma_wait3A_131 = tpu.memref_slice %arg19[%mul3A_124] : memref<10000xi32, #tpu.memory_space<vmem>> -> memref<80xi32, #tpu.memory_space<vmem>>
          %dma_wait3A_132 = arith.constant 0 : i32
          %dma_wait3A_133 = arith.constant 0 : i32
          %dma_wait3A_134 = tpu.memref_slice %arg16[%dma_wait3A_132, %dma_wait3A_133] : memref<10240x128xf32, #tpu.memory_space<vmem_shared>> -> memref<10240x128xf32, #tpu.memory_space<vmem_shared>>
          tpu.wait_indirect_dma semaphore(%run_scoped3A : memref<!tpu.dma_semaphore, #tpu.memory_space<semaphore_mem>>) src(%arg21 : memref<80x128xf32, #tpu.memory_space<vmem>>) dst(%dma_wait3A_134 : memref<10240x128xf32, #tpu.memory_space<vmem_shared>>)
          tpu.yield
        }) : () -> ()
        %mul3A_125 = arith.constant 80 : i32
        %mul3A_126 = arith.muli %add3A_109, %mul3A_125 : i32
        "tpu.region"() ({
          %run_scoped3A = tpu.sem_alloc : memref<!tpu.dma_semaphore, #tpu.memory_space<semaphore_mem>>
          %dma_start3A_127 = tpu.memref_slice %arg19[%mul3A_126] : memref<10000xi32, #tpu.memory_space<vmem>> -> memref<80xi32, #tpu.memory_space<vmem>>
          %dma_start3A_128 = arith.constant 0 : i32
          %dma_start3A_129 = tpu.memref_slice %arg17[%dma_start3A_128] : memref<10240xf32, #tpu.memory_space<vmem_shared>> -> memref<10240xf32, #tpu.memory_space<vmem_shared>>
          tpu.enqueue_indirect_dma source(%arg22 : memref<80xf32, #tpu.memory_space<vmem>>) target(%dma_start3A_129 : memref<10240xf32, #tpu.memory_space<vmem_shared>>) offsets(%dma_start3A_127 : memref<80xi32, #tpu.memory_space<vmem>>) semaphore(%run_scoped3A : memref<!tpu.dma_semaphore, #tpu.memory_space<semaphore_mem>>) {add = true}
          %dma_wait3A_130 = tpu.memref_slice %arg19[%mul3A_126] : memref<10000xi32, #tpu.memory_space<vmem>> -> memref<80xi32, #tpu.memory_space<vmem>>
          %dma_wait3A_131 = arith.constant 0 : i32
          %dma_wait3A_132 = tpu.memref_slice %arg17[%dma_wait3A_131] : memref<10240xf32, #tpu.memory_space<vmem_shared>> -> memref<10240xf32, #tpu.memory_space<vmem_shared>>
          tpu.wait_indirect_dma semaphore(%run_scoped3A : memref<!tpu.dma_semaphore, #tpu.memory_space<semaphore_mem>>) src(%arg22 : memref<80xf32, #tpu.memory_space<vmem>>) dst(%dma_wait3A_132 : memref<10240xf32, #tpu.memory_space<vmem_shared>>)
          tpu.yield
        }) : () -> ()
      }
      %scan3A_83 = arith.constant 62 : i32
      %dma_wait3A = arith.constant 9920 : i32
      %dma_wait3A_84 = tpu.memref_slice %arg18[%dma_wait3A] : memref<10000xi32, #tpu.memory_space<vmem>> -> memref<80xi32, #tpu.memory_space<vmem>>
      %dma_wait3A_85 = arith.constant 0 : i32
      %dma_wait3A_86 = arith.constant 0 : i32
      %dma_wait3A_87 = tpu.memref_slice %arg2[%dma_wait3A_85, %dma_wait3A_86] : memref<10240x128xf32, #tpu.memory_space<hbm>> -> memref<10240x128xf32, #tpu.memory_space<hbm>>
      tpu.wait_indirect_dma semaphore(%arg23 : memref<!tpu.dma_semaphore, #tpu.memory_space<semaphore_mem>>) src(%dma_wait3A_87 : memref<10240x128xf32, #tpu.memory_space<hbm>>) dst(%arg20 : memref<80x128xf32, #tpu.memory_space<vmem>>)
      "tpu.region"() ({
        %run_scoped3A = tpu.sem_alloc : memref<!tpu.dma_semaphore, #tpu.memory_space<semaphore_mem>>
        %dma_start3A_88 = arith.constant 9920 : i32
        %dma_start3A_89 = tpu.memref_slice %arg19[%dma_start3A_88] : memref<10000xi32, #tpu.memory_space<vmem>> -> memref<80xi32, #tpu.memory_space<vmem>>
        %dma_start3A_90 = arith.constant 0 : i32
        %dma_start3A_91 = arith.constant 0 : i32
        %dma_start3A_92 = tpu.memref_slice %arg16[%dma_start3A_90, %dma_start3A_91] : memref<10240x128xf32, #tpu.memory_space<vmem_shared>> -> memref<10240x128xf32, #tpu.memory_space<vmem_shared>>
        tpu.enqueue_indirect_dma source(%arg20 : memref<80x128xf32, #tpu.memory_space<vmem>>) target(%dma_start3A_92 : memref<10240x128xf32, #tpu.memory_space<vmem_shared>>) offsets(%dma_start3A_89 : memref<80xi32, #tpu.memory_space<vmem>>) semaphore(%run_scoped3A : memref<!tpu.dma_semaphore, #tpu.memory_space<semaphore_mem>>) {add = true}
        %dma_wait3A_93 = arith.constant 9920 : i32
        %dma_wait3A_94 = tpu.memref_slice %arg19[%dma_wait3A_93] : memref<10000xi32, #tpu.memory_space<vmem>> -> memref<80xi32, #tpu.memory_space<vmem>>
        %dma_wait3A_95 = arith.constant 0 : i32
        %dma_wait3A_96 = arith.constant 0 : i32
        %dma_wait3A_97 = tpu.memref_slice %arg16[%dma_wait3A_95, %dma_wait3A_96] : memref<10240x128xf32, #tpu.memory_space<vmem_shared>> -> memref<10240x128xf32, #tpu.memory_space<vmem_shared>>
        tpu.wait_indirect_dma semaphore(%run_scoped3A : memref<!tpu.dma_semaphore, #tpu.memory_space<semaphore_mem>>) src(%arg20 : memref<80x128xf32, #tpu.memory_space<vmem>>) dst(%dma_wait3A_97 : memref<10240x128xf32, #tpu.memory_space<vmem_shared>>)
        tpu.yield
      }) : () -> ()
      "tpu.region"() ({
        %run_scoped3A = tpu.sem_alloc : memref<!tpu.dma_semaphore, #tpu.memory_space<semaphore_mem>>
        %dma_start3A_88 = arith.constant 9920 : i32
        %dma_start3A_89 = tpu.memref_slice %arg19[%dma_start3A_88] : memref<10000xi32, #tpu.memory_space<vmem>> -> memref<80xi32, #tpu.memory_space<vmem>>
        %dma_start3A_90 = arith.constant 0 : i32
        %dma_start3A_91 = tpu.memref_slice %arg17[%dma_start3A_90] : memref<10240xf32, #tpu.memory_space<vmem_shared>> -> memref<10240xf32, #tpu.memory_space<vmem_shared>>
        tpu.enqueue_indirect_dma source(%arg22 : memref<80xf32, #tpu.memory_space<vmem>>) target(%dma_start3A_91 : memref<10240xf32, #tpu.memory_space<vmem_shared>>) offsets(%dma_start3A_89 : memref<80xi32, #tpu.memory_space<vmem>>) semaphore(%run_scoped3A : memref<!tpu.dma_semaphore, #tpu.memory_space<semaphore_mem>>) {add = true}
        %dma_wait3A_92 = arith.constant 9920 : i32
        %dma_wait3A_93 = tpu.memref_slice %arg19[%dma_wait3A_92] : memref<10000xi32, #tpu.memory_space<vmem>> -> memref<80xi32, #tpu.memory_space<vmem>>
        %dma_wait3A_94 = arith.constant 0 : i32
        %dma_wait3A_95 = tpu.memref_slice %arg17[%dma_wait3A_94] : memref<10240xf32, #tpu.memory_space<vmem_shared>> -> memref<10240xf32, #tpu.memory_space<vmem_shared>>
        tpu.wait_indirect_dma semaphore(%run_scoped3A : memref<!tpu.dma_semaphore, #tpu.memory_space<semaphore_mem>>) src(%arg22 : memref<80xf32, #tpu.memory_space<vmem>>) dst(%dma_wait3A_95 : memref<10240xf32, #tpu.memory_space<vmem_shared>>)
        tpu.yield
      }) : () -> ()
    } else {
    }
    %eq3A_26 = arith.constant 1 : i32
    %eq3A_27 = arith.cmpi eq, %arg0, %eq3A_26 : i32
    %convert_element_type3A_28 = arith.extui %eq3A_27 : i1 to i32
    %cond3A_29 = arith.constant 0 : i32
    %cond3A_30 = arith.cmpi ne, %convert_element_type3A_28, %cond3A_29 : i32
    scf.if %cond3A_30 {
      %mul3A_71 = arith.constant 10000 : i32
      %mul3A_72 = arith.muli %arg1, %mul3A_71 : i32
      "tpu.region"() ({
        %run_scoped3A = tpu.sem_alloc : memref<!tpu.dma_semaphore, #tpu.memory_space<semaphore_mem>>
        %dma_start3A_88 = tpu.memref_slice %arg4[%mul3A_72] : memref<160000xi32, #tpu.memory_space<hbm>> -> memref<10000xi32, #tpu.memory_space<hbm>>
        %dma_start3A_89 = tpu.memref_slice %arg4[%mul3A_72] : memref<160000xi32, #tpu.memory_space<hbm>> -> memref<10000xi32, #tpu.memory_space<hbm>>
        tpu.enqueue_dma source(%dma_start3A_89 : memref<10000xi32, #tpu.memory_space<hbm>>) target(%arg18 : memref<10000xi32, #tpu.memory_space<vmem>>) target_semaphore(%run_scoped3A : memref<!tpu.dma_semaphore, #tpu.memory_space<semaphore_mem>>)
        %dma_wait3A_90 = tpu.memref_slice %arg4[%mul3A_72] : memref<160000xi32, #tpu.memory_space<hbm>> -> memref<10000xi32, #tpu.memory_space<hbm>>
        %dma_wait3A_91 = tpu.memref_slice %arg4[%mul3A_72] : memref<160000xi32, #tpu.memory_space<hbm>> -> memref<10000xi32, #tpu.memory_space<hbm>>
        tpu.wait_dma2 semaphore(%run_scoped3A : memref<!tpu.dma_semaphore, #tpu.memory_space<semaphore_mem>>) src(%dma_wait3A_91 : memref<10000xi32, #tpu.memory_space<hbm>>) dst(%arg18 : memref<10000xi32, #tpu.memory_space<vmem>>)
        tpu.yield
      }) : () -> ()
      %mul3A_73 = arith.constant 10000 : i32
      %mul3A_74 = arith.muli %arg1, %mul3A_73 : i32
      "tpu.region"() ({
        %run_scoped3A = tpu.sem_alloc : memref<!tpu.dma_semaphore, #tpu.memory_space<semaphore_mem>>
        %dma_start3A_88 = tpu.memref_slice %arg5[%mul3A_74] : memref<160000xi32, #tpu.memory_space<hbm>> -> memref<10000xi32, #tpu.memory_space<hbm>>
        %dma_start3A_89 = tpu.memref_slice %arg5[%mul3A_74] : memref<160000xi32, #tpu.memory_space<hbm>> -> memref<10000xi32, #tpu.memory_space<hbm>>
        tpu.enqueue_dma source(%dma_start3A_89 : memref<10000xi32, #tpu.memory_space<hbm>>) target(%arg19 : memref<10000xi32, #tpu.memory_space<vmem>>) target_semaphore(%run_scoped3A : memref<!tpu.dma_semaphore, #tpu.memory_space<semaphore_mem>>)
        %dma_wait3A_90 = tpu.memref_slice %arg5[%mul3A_74] : memref<160000xi32, #tpu.memory_space<hbm>> -> memref<10000xi32, #tpu.memory_space<hbm>>
        %dma_wait3A_91 = tpu.memref_slice %arg5[%mul3A_74] : memref<160000xi32, #tpu.memory_space<hbm>> -> memref<10000xi32, #tpu.memory_space<hbm>>
        tpu.wait_dma2 semaphore(%run_scoped3A : memref<!tpu.dma_semaphore, #tpu.memory_space<semaphore_mem>>) src(%dma_wait3A_91 : memref<10000xi32, #tpu.memory_space<hbm>>) dst(%arg19 : memref<10000xi32, #tpu.memory_space<vmem>>)
        tpu.yield
      }) : () -> ()
      %dma_start3A = arith.constant 0 : i32
      %dma_start3A_75 = tpu.memref_slice %arg18[%dma_start3A] : memref<10000xi32, #tpu.memory_space<vmem>> -> memref<80xi32, #tpu.memory_space<vmem>>
      %dma_start3A_76 = arith.constant 0 : i32
      %dma_start3A_77 = arith.constant 0 : i32
      %dma_start3A_78 = tpu.memref_slice %arg3[%dma_start3A_76, %dma_start3A_77] : memref<10240x128xf32, #tpu.memory_space<hbm>> -> memref<10240x128xf32, #tpu.memory_space<hbm>>
      tpu.enqueue_indirect_dma source(%dma_start3A_78 : memref<10240x128xf32, #tpu.memory_space<hbm>>) target(%arg20 : memref<80x128xf32, #tpu.memory_space<vmem>>) offsets(%dma_start3A_75 : memref<80xi32, #tpu.memory_space<vmem>>) semaphore(%arg23 : memref<!tpu.dma_semaphore, #tpu.memory_space<semaphore_mem>>)
      %scan3A = arith.constant 0 : i32
      %scan3A_79 = arith.constant 0 : i32
      %scan3A_80 = arith.constant 62 : i32
      %scan3A_81 = arith.addi %scan3A_79, %scan3A_80 : i32
      %scan3A_82 = arith.constant 1 : i32
      scf.for %scan3A_88 = %scan3A_79 to %scan3A_81 step %scan3A_82  : i32 {
        %mul3A_89 = arith.constant 2 : i32
        %mul3A_90 = arith.muli %scan3A_88, %mul3A_89 : i32
        %add3A = arith.constant 1 : i32
        %add3A_91 = arith.addi %mul3A_90, %add3A : i32
        %lt3A = arith.constant 125 : i32
        %lt3A_92 = arith.cmpi slt, %add3A_91, %lt3A : i32
        %convert_element_type3A_93 = arith.extui %lt3A_92 : i1 to i32
        %cond3A_94 = arith.constant 0 : i32
        %cond3A_95 = arith.cmpi ne, %convert_element_type3A_93, %cond3A_94 : i32
        scf.if %cond3A_95 {
          %add3A_123 = arith.constant 1 : i32
          %add3A_124 = arith.addi %mul3A_90, %add3A_123 : i32
          %mul3A_125 = arith.constant 80 : i32
          %mul3A_126 = arith.muli %add3A_124, %mul3A_125 : i32
          %dma_start3A_127 = tpu.memref_slice %arg18[%mul3A_126] : memref<10000xi32, #tpu.memory_space<vmem>> -> memref<80xi32, #tpu.memory_space<vmem>>
          %dma_start3A_128 = arith.constant 0 : i32
          %dma_start3A_129 = arith.constant 0 : i32
          %dma_start3A_130 = tpu.memref_slice %arg3[%dma_start3A_128, %dma_start3A_129] : memref<10240x128xf32, #tpu.memory_space<hbm>> -> memref<10240x128xf32, #tpu.memory_space<hbm>>
          tpu.enqueue_indirect_dma source(%dma_start3A_130 : memref<10240x128xf32, #tpu.memory_space<hbm>>) target(%arg21 : memref<80x128xf32, #tpu.memory_space<vmem>>) offsets(%dma_start3A_127 : memref<80xi32, #tpu.memory_space<vmem>>) semaphore(%arg24 : memref<!tpu.dma_semaphore, #tpu.memory_space<semaphore_mem>>)
        } else {
        }
        %mul3A_96 = arith.constant 80 : i32
        %mul3A_97 = arith.muli %mul3A_90, %mul3A_96 : i32
        %dma_wait3A_98 = tpu.memref_slice %arg18[%mul3A_97] : memref<10000xi32, #tpu.memory_space<vmem>> -> memref<80xi32, #tpu.memory_space<vmem>>
        %dma_wait3A_99 = arith.constant 0 : i32
        %dma_wait3A_100 = arith.constant 0 : i32
        %dma_wait3A_101 = tpu.memref_slice %arg3[%dma_wait3A_99, %dma_wait3A_100] : memref<10240x128xf32, #tpu.memory_space<hbm>> -> memref<10240x128xf32, #tpu.memory_space<hbm>>
        tpu.wait_indirect_dma semaphore(%arg23 : memref<!tpu.dma_semaphore, #tpu.memory_space<semaphore_mem>>) src(%dma_wait3A_101 : memref<10240x128xf32, #tpu.memory_space<hbm>>) dst(%arg20 : memref<80x128xf32, #tpu.memory_space<vmem>>)
        %mul3A_102 = arith.constant 80 : i32
        %mul3A_103 = arith.muli %mul3A_90, %mul3A_102 : i32
        "tpu.region"() ({
          %run_scoped3A = tpu.sem_alloc : memref<!tpu.dma_semaphore, #tpu.memory_space<semaphore_mem>>
          %dma_start3A_123 = tpu.memref_slice %arg19[%mul3A_103] : memref<10000xi32, #tpu.memory_space<vmem>> -> memref<80xi32, #tpu.memory_space<vmem>>
          %dma_start3A_124 = arith.constant 0 : i32
          %dma_start3A_125 = arith.constant 0 : i32
          %dma_start3A_126 = tpu.memref_slice %arg16[%dma_start3A_124, %dma_start3A_125] : memref<10240x128xf32, #tpu.memory_space<vmem_shared>> -> memref<10240x128xf32, #tpu.memory_space<vmem_shared>>
          tpu.enqueue_indirect_dma source(%arg20 : memref<80x128xf32, #tpu.memory_space<vmem>>) target(%dma_start3A_126 : memref<10240x128xf32, #tpu.memory_space<vmem_shared>>) offsets(%dma_start3A_123 : memref<80xi32, #tpu.memory_space<vmem>>) semaphore(%run_scoped3A : memref<!tpu.dma_semaphore, #tpu.memory_space<semaphore_mem>>) {add = true}
          %dma_wait3A_127 = tpu.memref_slice %arg19[%mul3A_103] : memref<10000xi32, #tpu.memory_space<vmem>> -> memref<80xi32, #tpu.memory_space<vmem>>
          %dma_wait3A_128 = arith.constant 0 : i32
          %dma_wait3A_129 = arith.constant 0 : i32
          %dma_wait3A_130 = tpu.memref_slice %arg16[%dma_wait3A_128, %dma_wait3A_129] : memref<10240x128xf32, #tpu.memory_space<vmem_shared>> -> memref<10240x128xf32, #tpu.memory_space<vmem_shared>>
          tpu.wait_indirect_dma semaphore(%run_scoped3A : memref<!tpu.dma_semaphore, #tpu.memory_space<semaphore_mem>>) src(%arg20 : memref<80x128xf32, #tpu.memory_space<vmem>>) dst(%dma_wait3A_130 : memref<10240x128xf32, #tpu.memory_space<vmem_shared>>)
          tpu.yield
        }) : () -> ()
        %mul3A_104 = arith.constant 2 : i32
        %mul3A_105 = arith.muli %scan3A_88, %mul3A_104 : i32
        %add3A_106 = arith.constant 1 : i32
        %add3A_107 = arith.addi %mul3A_105, %add3A_106 : i32
        %add3A_108 = arith.constant 1 : i32
        %add3A_109 = arith.addi %add3A_107, %add3A_108 : i32
        %lt3A_110 = arith.constant 125 : i32
        %lt3A_111 = arith.cmpi slt, %add3A_109, %lt3A_110 : i32
        %convert_element_type3A_112 = arith.extui %lt3A_111 : i1 to i32
        %cond3A_113 = arith.constant 0 : i32
        %cond3A_114 = arith.cmpi ne, %convert_element_type3A_112, %cond3A_113 : i32
        scf.if %cond3A_114 {
          %add3A_123 = arith.constant 1 : i32
          %add3A_124 = arith.addi %add3A_107, %add3A_123 : i32
          %mul3A_125 = arith.constant 80 : i32
          %mul3A_126 = arith.muli %add3A_124, %mul3A_125 : i32
          %dma_start3A_127 = tpu.memref_slice %arg18[%mul3A_126] : memref<10000xi32, #tpu.memory_space<vmem>> -> memref<80xi32, #tpu.memory_space<vmem>>
          %dma_start3A_128 = arith.constant 0 : i32
          %dma_start3A_129 = arith.constant 0 : i32
          %dma_start3A_130 = tpu.memref_slice %arg3[%dma_start3A_128, %dma_start3A_129] : memref<10240x128xf32, #tpu.memory_space<hbm>> -> memref<10240x128xf32, #tpu.memory_space<hbm>>
          tpu.enqueue_indirect_dma source(%dma_start3A_130 : memref<10240x128xf32, #tpu.memory_space<hbm>>) target(%arg20 : memref<80x128xf32, #tpu.memory_space<vmem>>) offsets(%dma_start3A_127 : memref<80xi32, #tpu.memory_space<vmem>>) semaphore(%arg23 : memref<!tpu.dma_semaphore, #tpu.memory_space<semaphore_mem>>)
        } else {
        }
        %mul3A_115 = arith.constant 80 : i32
        %mul3A_116 = arith.muli %add3A_107, %mul3A_115 : i32
        %dma_wait3A_117 = tpu.memref_slice %arg18[%mul3A_116] : memref<10000xi32, #tpu.memory_space<vmem>> -> memref<80xi32, #tpu.memory_space<vmem>>
        %dma_wait3A_118 = arith.constant 0 : i32
        %dma_wait3A_119 = arith.constant 0 : i32
        %dma_wait3A_120 = tpu.memref_slice %arg3[%dma_wait3A_118, %dma_wait3A_119] : memref<10240x128xf32, #tpu.memory_space<hbm>> -> memref<10240x128xf32, #tpu.memory_space<hbm>>
        tpu.wait_indirect_dma semaphore(%arg24 : memref<!tpu.dma_semaphore, #tpu.memory_space<semaphore_mem>>) src(%dma_wait3A_120 : memref<10240x128xf32, #tpu.memory_space<hbm>>) dst(%arg21 : memref<80x128xf32, #tpu.memory_space<vmem>>)
        %mul3A_121 = arith.constant 80 : i32
        %mul3A_122 = arith.muli %add3A_107, %mul3A_121 : i32
        "tpu.region"() ({
          %run_scoped3A = tpu.sem_alloc : memref<!tpu.dma_semaphore, #tpu.memory_space<semaphore_mem>>
          %dma_start3A_123 = tpu.memref_slice %arg19[%mul3A_122] : memref<10000xi32, #tpu.memory_space<vmem>> -> memref<80xi32, #tpu.memory_space<vmem>>
          %dma_start3A_124 = arith.constant 0 : i32
          %dma_start3A_125 = arith.constant 0 : i32
          %dma_start3A_126 = tpu.memref_slice %arg16[%dma_start3A_124, %dma_start3A_125] : memref<10240x128xf32, #tpu.memory_space<vmem_shared>> -> memref<10240x128xf32, #tpu.memory_space<vmem_shared>>
          tpu.enqueue_indirect_dma source(%arg21 : memref<80x128xf32, #tpu.memory_space<vmem>>) target(%dma_start3A_126 : memref<10240x128xf32, #tpu.memory_space<vmem_shared>>) offsets(%dma_start3A_123 : memref<80xi32, #tpu.memory_space<vmem>>) semaphore(%run_scoped3A : memref<!tpu.dma_semaphore, #tpu.memory_space<semaphore_mem>>) {add = true}
          %dma_wait3A_127 = tpu.memref_slice %arg19[%mul3A_122] : memref<10000xi32, #tpu.memory_space<vmem>> -> memref<80xi32, #tpu.memory_space<vmem>>
          %dma_wait3A_128 = arith.constant 0 : i32
          %dma_wait3A_129 = arith.constant 0 : i32
          %dma_wait3A_130 = tpu.memref_slice %arg16[%dma_wait3A_128, %dma_wait3A_129] : memref<10240x128xf32, #tpu.memory_space<vmem_shared>> -> memref<10240x128xf32, #tpu.memory_space<vmem_shared>>
          tpu.wait_indirect_dma semaphore(%run_scoped3A : memref<!tpu.dma_semaphore, #tpu.memory_space<semaphore_mem>>) src(%arg21 : memref<80x128xf32, #tpu.memory_space<vmem>>) dst(%dma_wait3A_130 : memref<10240x128xf32, #tpu.memory_space<vmem_shared>>)
          tpu.yield
        }) : () -> ()
      }
      %scan3A_83 = arith.constant 62 : i32
      %dma_wait3A = arith.constant 9920 : i32
      %dma_wait3A_84 = tpu.memref_slice %arg18[%dma_wait3A] : memref<10000xi32, #tpu.memory_space<vmem>> -> memref<80xi32, #tpu.memory_space<vmem>>
      %dma_wait3A_85 = arith.constant 0 : i32
      %dma_wait3A_86 = arith.constant 0 : i32
      %dma_wait3A_87 = tpu.memref_slice %arg3[%dma_wait3A_85, %dma_wait3A_86] : memref<10240x128xf32, #tpu.memory_space<hbm>> -> memref<10240x128xf32, #tpu.memory_space<hbm>>
      tpu.wait_indirect_dma semaphore(%arg23 : memref<!tpu.dma_semaphore, #tpu.memory_space<semaphore_mem>>) src(%dma_wait3A_87 : memref<10240x128xf32, #tpu.memory_space<hbm>>) dst(%arg20 : memref<80x128xf32, #tpu.memory_space<vmem>>)
      "tpu.region"() ({
        %run_scoped3A = tpu.sem_alloc : memref<!tpu.dma_semaphore, #tpu.memory_space<semaphore_mem>>
        %dma_start3A_88 = arith.constant 9920 : i32
        %dma_start3A_89 = tpu.memref_slice %arg19[%dma_start3A_88] : memref<10000xi32, #tpu.memory_space<vmem>> -> memref<80xi32, #tpu.memory_space<vmem>>
        %dma_start3A_90 = arith.constant 0 : i32
        %dma_start3A_91 = arith.constant 0 : i32
        %dma_start3A_92 = tpu.memref_slice %arg16[%dma_start3A_90, %dma_start3A_91] : memref<10240x128xf32, #tpu.memory_space<vmem_shared>> -> memref<10240x128xf32, #tpu.memory_space<vmem_shared>>
        tpu.enqueue_indirect_dma source(%arg20 : memref<80x128xf32, #tpu.memory_space<vmem>>) target(%dma_start3A_92 : memref<10240x128xf32, #tpu.memory_space<vmem_shared>>) offsets(%dma_start3A_89 : memref<80xi32, #tpu.memory_space<vmem>>) semaphore(%run_scoped3A : memref<!tpu.dma_semaphore, #tpu.memory_space<semaphore_mem>>) {add = true}
        %dma_wait3A_93 = arith.constant 9920 : i32
        %dma_wait3A_94 = tpu.memref_slice %arg19[%dma_wait3A_93] : memref<10000xi32, #tpu.memory_space<vmem>> -> memref<80xi32, #tpu.memory_space<vmem>>
        %dma_wait3A_95 = arith.constant 0 : i32
        %dma_wait3A_96 = arith.constant 0 : i32
        %dma_wait3A_97 = tpu.memref_slice %arg16[%dma_wait3A_95, %dma_wait3A_96] : memref<10240x128xf32, #tpu.memory_space<vmem_shared>> -> memref<10240x128xf32, #tpu.memory_space<vmem_shared>>
        tpu.wait_indirect_dma semaphore(%run_scoped3A : memref<!tpu.dma_semaphore, #tpu.memory_space<semaphore_mem>>) src(%arg20 : memref<80x128xf32, #tpu.memory_space<vmem>>) dst(%dma_wait3A_97 : memref<10240x128xf32, #tpu.memory_space<vmem_shared>>)
        tpu.yield
      }) : () -> ()
    } else {
    }
    %barrier3A_31 = arith.constant 0 : index
    tpu.barrier barrier_id(%barrier3A_31)
    %eq3A_32 = arith.constant 0 : i32
    %eq3A_33 = arith.cmpi eq, %arg0, %eq3A_32 : i32
    %convert_element_type3A_34 = arith.extui %eq3A_33 : i1 to i32
    %cond3A_35 = arith.constant 0 : i32
    %cond3A_36 = arith.cmpi ne, %convert_element_type3A_34, %cond3A_35 : i32
    scf.if %cond3A_36 {
      "tpu.region"() ({
        %run_scoped3A = tpu.sem_alloc : memref<!tpu.dma_semaphore, #tpu.memory_space<semaphore_mem>>
        %dma_start3A = arith.constant 0 : i32
        %dma_start3A_71 = tpu.memref_slice %arg10[%mul3A_18, %dma_start3A] : memref<10240x128xf32, #tpu.memory_space<hbm>> -> memref<640x128xf32, #tpu.memory_space<hbm>>
        %dma_start3A_72 = arith.constant 0 : i32
        %dma_start3A_73 = tpu.memref_slice %arg16[%mul3A_18, %dma_start3A_72] : memref<10240x128xf32, #tpu.memory_space<vmem_shared>> -> memref<640x128xf32, #tpu.memory_space<vmem_shared>>
        tpu.enqueue_dma source(%dma_start3A_73 : memref<640x128xf32, #tpu.memory_space<vmem_shared>>) target(%dma_start3A_71 : memref<640x128xf32, #tpu.memory_space<hbm>>) target_semaphore(%run_scoped3A : memref<!tpu.dma_semaphore, #tpu.memory_space<semaphore_mem>>)
        %dma_wait3A = arith.constant 0 : i32
        %dma_wait3A_74 = tpu.memref_slice %arg10[%mul3A_18, %dma_wait3A] : memref<10240x128xf32, #tpu.memory_space<hbm>> -> memref<640x128xf32, #tpu.memory_space<hbm>>
        %dma_wait3A_75 = arith.constant 0 : i32
        %dma_wait3A_76 = tpu.memref_slice %arg16[%mul3A_18, %dma_wait3A_75] : memref<10240x128xf32, #tpu.memory_space<vmem_shared>> -> memref<640x128xf32, #tpu.memory_space<vmem_shared>>
        tpu.wait_dma2 semaphore(%run_scoped3A : memref<!tpu.dma_semaphore, #tpu.memory_space<semaphore_mem>>) src(%dma_wait3A_76 : memref<640x128xf32, #tpu.memory_space<vmem_shared>>) dst(%dma_wait3A_74 : memref<640x128xf32, #tpu.memory_space<hbm>>)
        tpu.yield
      }) : () -> ()
      "tpu.region"() ({
        %run_scoped3A = tpu.sem_alloc : memref<!tpu.dma_semaphore, #tpu.memory_space<semaphore_mem>>
        %dma_start3A = tpu.memref_slice %arg14[%mul3A_18] : memref<10240xf32, #tpu.memory_space<hbm>> -> memref<640xf32, #tpu.memory_space<hbm>>
        %dma_start3A_71 = tpu.memref_slice %arg17[%mul3A_18] : memref<10240xf32, #tpu.memory_space<vmem_shared>> -> memref<640xf32, #tpu.memory_space<vmem_shared>>
        tpu.enqueue_dma source(%dma_start3A_71 : memref<640xf32, #tpu.memory_space<vmem_shared>>) target(%dma_start3A : memref<640xf32, #tpu.memory_space<hbm>>) target_semaphore(%run_scoped3A : memref<!tpu.dma_semaphore, #tpu.memory_space<semaphore_mem>>)
        %dma_wait3A = tpu.memref_slice %arg14[%mul3A_18] : memref<10240xf32, #tpu.memory_space<hbm>> -> memref<640xf32, #tpu.memory_space<hbm>>
        %dma_wait3A_72 = tpu.memref_slice %arg17[%mul3A_18] : memref<10240xf32, #tpu.memory_space<vmem_shared>> -> memref<640xf32, #tpu.memory_space<vmem_shared>>
        tpu.wait_dma2 semaphore(%run_scoped3A : memref<!tpu.dma_semaphore, #tpu.memory_space<semaphore_mem>>) src(%dma_wait3A_72 : memref<640xf32, #tpu.memory_space<vmem_shared>>) dst(%dma_wait3A : memref<640xf32, #tpu.memory_space<hbm>>)
        tpu.yield
      }) : () -> ()
    } else {
    }
    %eq3A_37 = arith.constant 1 : i32
    %eq3A_38 = arith.cmpi eq, %arg0, %eq3A_37 : i32
    %convert_element_type3A_39 = arith.extui %eq3A_38 : i1 to i32
    %cond3A_40 = arith.constant 0 : i32
    %cond3A_41 = arith.cmpi ne, %convert_element_type3A_39, %cond3A_40 : i32
    scf.if %cond3A_41 {
      "tpu.region"() ({
        %run_scoped3A = tpu.sem_alloc : memref<!tpu.dma_semaphore, #tpu.memory_space<semaphore_mem>>
        %dma_start3A = arith.constant 0 : i32
        %dma_start3A_71 = tpu.memref_slice %arg11[%mul3A_18, %dma_start3A] : memref<10240x128xf32, #tpu.memory_space<hbm>> -> memref<640x128xf32, #tpu.memory_space<hbm>>
        %dma_start3A_72 = arith.constant 0 : i32
        %dma_start3A_73 = tpu.memref_slice %arg16[%mul3A_18, %dma_start3A_72] : memref<10240x128xf32, #tpu.memory_space<vmem_shared>> -> memref<640x128xf32, #tpu.memory_space<vmem_shared>>
        tpu.enqueue_dma source(%dma_start3A_73 : memref<640x128xf32, #tpu.memory_space<vmem_shared>>) target(%dma_start3A_71 : memref<640x128xf32, #tpu.memory_space<hbm>>) target_semaphore(%run_scoped3A : memref<!tpu.dma_semaphore, #tpu.memory_space<semaphore_mem>>)
        %dma_wait3A = arith.constant 0 : i32
        %dma_wait3A_74 = tpu.memref_slice %arg11[%mul3A_18, %dma_wait3A] : memref<10240x128xf32, #tpu.memory_space<hbm>> -> memref<640x128xf32, #tpu.memory_space<hbm>>
        %dma_wait3A_75 = arith.constant 0 : i32
        %dma_wait3A_76 = tpu.memref_slice %arg16[%mul3A_18, %dma_wait3A_75] : memref<10240x128xf32, #tpu.memory_space<vmem_shared>> -> memref<640x128xf32, #tpu.memory_space<vmem_shared>>
        tpu.wait_dma2 semaphore(%run_scoped3A : memref<!tpu.dma_semaphore, #tpu.memory_space<semaphore_mem>>) src(%dma_wait3A_76 : memref<640x128xf32, #tpu.memory_space<vmem_shared>>) dst(%dma_wait3A_74 : memref<640x128xf32, #tpu.memory_space<hbm>>)
        tpu.yield
      }) : () -> ()
    } else {
    }
    %barrier3A_42 = arith.constant 0 : index
    tpu.barrier barrier_id(%barrier3A_42)
    "tpu.region"() ({
      %run_scoped3A = tpu.sem_alloc : memref<!tpu.dma_semaphore, #tpu.memory_space<semaphore_mem>>
      %dma_start3A = arith.constant 0 : i32
      %dma_start3A_71 = tpu.memref_slice %arg16[%mul3A_18, %dma_start3A] : memref<10240x128xf32, #tpu.memory_space<vmem_shared>> -> memref<640x128xf32, #tpu.memory_space<vmem_shared>>
      tpu.enqueue_dma source(%arg8 : memref<640x128xf32, #tpu.memory_space<hbm>>) target(%dma_start3A_71 : memref<640x128xf32, #tpu.memory_space<vmem_shared>>) target_semaphore(%run_scoped3A : memref<!tpu.dma_semaphore, #tpu.memory_space<semaphore_mem>>)
      %dma_wait3A = arith.constant 0 : i32
      %dma_wait3A_72 = tpu.memref_slice %arg16[%mul3A_18, %dma_wait3A] : memref<10240x128xf32, #tpu.memory_space<vmem_shared>> -> memref<640x128xf32, #tpu.memory_space<vmem_shared>>
      tpu.wait_dma2 semaphore(%run_scoped3A : memref<!tpu.dma_semaphore, #tpu.memory_space<semaphore_mem>>) src(%arg8 : memref<640x128xf32, #tpu.memory_space<hbm>>) dst(%dma_wait3A_72 : memref<640x128xf32, #tpu.memory_space<vmem_shared>>)
      tpu.yield
    }) : () -> ()
    %eq3A_43 = arith.constant 0 : i32
    %eq3A_44 = arith.cmpi eq, %arg0, %eq3A_43 : i32
    %convert_element_type3A_45 = arith.extui %eq3A_44 : i1 to i32
    %cond3A_46 = arith.constant 0 : i32
    %cond3A_47 = arith.cmpi ne, %convert_element_type3A_45, %cond3A_46 : i32
    scf.if %cond3A_47 {
      "tpu.region"() ({
        %run_scoped3A = tpu.sem_alloc : memref<!tpu.dma_semaphore, #tpu.memory_space<semaphore_mem>>
        %dma_start3A = tpu.memref_slice %arg17[%mul3A_18] : memref<10240xf32, #tpu.memory_space<vmem_shared>> -> memref<640xf32, #tpu.memory_space<vmem_shared>>
        tpu.enqueue_dma source(%arg9 : memref<640xf32, #tpu.memory_space<hbm>>) target(%dma_start3A : memref<640xf32, #tpu.memory_space<vmem_shared>>) target_semaphore(%run_scoped3A : memref<!tpu.dma_semaphore, #tpu.memory_space<semaphore_mem>>)
        %dma_wait3A = tpu.memref_slice %arg17[%mul3A_18] : memref<10240xf32, #tpu.memory_space<vmem_shared>> -> memref<640xf32, #tpu.memory_space<vmem_shared>>
        tpu.wait_dma2 semaphore(%run_scoped3A : memref<!tpu.dma_semaphore, #tpu.memory_space<semaphore_mem>>) src(%arg9 : memref<640xf32, #tpu.memory_space<hbm>>) dst(%dma_wait3A : memref<640xf32, #tpu.memory_space<vmem_shared>>)
        tpu.yield
      }) : () -> ()
    } else {
    }
    %barrier3A_48 = arith.constant 0 : index
    tpu.barrier barrier_id(%barrier3A_48)
    %eq3A_49 = arith.constant 0 : i32
    %eq3A_50 = arith.cmpi eq, %arg0, %eq3A_49 : i32
    %convert_element_type3A_51 = arith.extui %eq3A_50 : i1 to i32
    %cond3A_52 = arith.constant 0 : i32
    %cond3A_53 = arith.cmpi ne, %convert_element_type3A_51, %cond3A_52 : i32
    scf.if %cond3A_53 {
      %mul3A_71 = arith.constant 10000 : i32
      %mul3A_72 = arith.muli %arg1, %mul3A_71 : i32
      "tpu.region"() ({
        %run_scoped3A = tpu.sem_alloc : memref<!tpu.dma_semaphore, #tpu.memory_space<semaphore_mem>>
        %dma_start3A_88 = tpu.memref_slice %arg6[%mul3A_72] : memref<160000xi32, #tpu.memory_space<hbm>> -> memref<10000xi32, #tpu.memory_space<hbm>>
        %dma_start3A_89 = tpu.memref_slice %arg6[%mul3A_72] : memref<160000xi32, #tpu.memory_space<hbm>> -> memref<10000xi32, #tpu.memory_space<hbm>>
        tpu.enqueue_dma source(%dma_start3A_89 : memref<10000xi32, #tpu.memory_space<hbm>>) target(%arg18 : memref<10000xi32, #tpu.memory_space<vmem>>) target_semaphore(%run_scoped3A : memref<!tpu.dma_semaphore, #tpu.memory_space<semaphore_mem>>)
        %dma_wait3A_90 = tpu.memref_slice %arg6[%mul3A_72] : memref<160000xi32, #tpu.memory_space<hbm>> -> memref<10000xi32, #tpu.memory_space<hbm>>
        %dma_wait3A_91 = tpu.memref_slice %arg6[%mul3A_72] : memref<160000xi32, #tpu.memory_space<hbm>> -> memref<10000xi32, #tpu.memory_space<hbm>>
        tpu.wait_dma2 semaphore(%run_scoped3A : memref<!tpu.dma_semaphore, #tpu.memory_space<semaphore_mem>>) src(%dma_wait3A_91 : memref<10000xi32, #tpu.memory_space<hbm>>) dst(%arg18 : memref<10000xi32, #tpu.memory_space<vmem>>)
        tpu.yield
      }) : () -> ()
      %mul3A_73 = arith.constant 10000 : i32
      %mul3A_74 = arith.muli %arg1, %mul3A_73 : i32
      "tpu.region"() ({
        %run_scoped3A = tpu.sem_alloc : memref<!tpu.dma_semaphore, #tpu.memory_space<semaphore_mem>>
        %dma_start3A_88 = tpu.memref_slice %arg7[%mul3A_74] : memref<160000xi32, #tpu.memory_space<hbm>> -> memref<10000xi32, #tpu.memory_space<hbm>>
        %dma_start3A_89 = tpu.memref_slice %arg7[%mul3A_74] : memref<160000xi32, #tpu.memory_space<hbm>> -> memref<10000xi32, #tpu.memory_space<hbm>>
        tpu.enqueue_dma source(%dma_start3A_89 : memref<10000xi32, #tpu.memory_space<hbm>>) target(%arg19 : memref<10000xi32, #tpu.memory_space<vmem>>) target_semaphore(%run_scoped3A : memref<!tpu.dma_semaphore, #tpu.memory_space<semaphore_mem>>)
        %dma_wait3A_90 = tpu.memref_slice %arg7[%mul3A_74] : memref<160000xi32, #tpu.memory_space<hbm>> -> memref<10000xi32, #tpu.memory_space<hbm>>
        %dma_wait3A_91 = tpu.memref_slice %arg7[%mul3A_74] : memref<160000xi32, #tpu.memory_space<hbm>> -> memref<10000xi32, #tpu.memory_space<hbm>>
        tpu.wait_dma2 semaphore(%run_scoped3A : memref<!tpu.dma_semaphore, #tpu.memory_space<semaphore_mem>>) src(%dma_wait3A_91 : memref<10000xi32, #tpu.memory_space<hbm>>) dst(%arg19 : memref<10000xi32, #tpu.memory_space<vmem>>)
        tpu.yield
      }) : () -> ()
      %dma_start3A = arith.constant 0 : i32
      %dma_start3A_75 = tpu.memref_slice %arg18[%dma_start3A] : memref<10000xi32, #tpu.memory_space<vmem>> -> memref<80xi32, #tpu.memory_space<vmem>>
      %dma_start3A_76 = arith.constant 0 : i32
      %dma_start3A_77 = arith.constant 0 : i32
      %dma_start3A_78 = tpu.memref_slice %arg2[%dma_start3A_76, %dma_start3A_77] : memref<10240x128xf32, #tpu.memory_space<hbm>> -> memref<10240x128xf32, #tpu.memory_space<hbm>>
      tpu.enqueue_indirect_dma source(%dma_start3A_78 : memref<10240x128xf32, #tpu.memory_space<hbm>>) target(%arg20 : memref<80x128xf32, #tpu.memory_space<vmem>>) offsets(%dma_start3A_75 : memref<80xi32, #tpu.memory_space<vmem>>) semaphore(%arg23 : memref<!tpu.dma_semaphore, #tpu.memory_space<semaphore_mem>>)
      %scan3A = arith.constant 0 : i32
      %scan3A_79 = arith.constant 0 : i32
      %scan3A_80 = arith.constant 62 : i32
      %scan3A_81 = arith.addi %scan3A_79, %scan3A_80 : i32
      %scan3A_82 = arith.constant 1 : i32
      scf.for %scan3A_88 = %scan3A_79 to %scan3A_81 step %scan3A_82  : i32 {
        %mul3A_89 = arith.constant 2 : i32
        %mul3A_90 = arith.muli %scan3A_88, %mul3A_89 : i32
        %add3A = arith.constant 1 : i32
        %add3A_91 = arith.addi %mul3A_90, %add3A : i32
        %lt3A = arith.constant 125 : i32
        %lt3A_92 = arith.cmpi slt, %add3A_91, %lt3A : i32
        %convert_element_type3A_93 = arith.extui %lt3A_92 : i1 to i32
        %cond3A_94 = arith.constant 0 : i32
        %cond3A_95 = arith.cmpi ne, %convert_element_type3A_93, %cond3A_94 : i32
        scf.if %cond3A_95 {
          %add3A_127 = arith.constant 1 : i32
          %add3A_128 = arith.addi %mul3A_90, %add3A_127 : i32
          %mul3A_129 = arith.constant 80 : i32
          %mul3A_130 = arith.muli %add3A_128, %mul3A_129 : i32
          %dma_start3A_131 = tpu.memref_slice %arg18[%mul3A_130] : memref<10000xi32, #tpu.memory_space<vmem>> -> memref<80xi32, #tpu.memory_space<vmem>>
          %dma_start3A_132 = arith.constant 0 : i32
          %dma_start3A_133 = arith.constant 0 : i32
          %dma_start3A_134 = tpu.memref_slice %arg2[%dma_start3A_132, %dma_start3A_133] : memref<10240x128xf32, #tpu.memory_space<hbm>> -> memref<10240x128xf32, #tpu.memory_space<hbm>>
          tpu.enqueue_indirect_dma source(%dma_start3A_134 : memref<10240x128xf32, #tpu.memory_space<hbm>>) target(%arg21 : memref<80x128xf32, #tpu.memory_space<vmem>>) offsets(%dma_start3A_131 : memref<80xi32, #tpu.memory_space<vmem>>) semaphore(%arg24 : memref<!tpu.dma_semaphore, #tpu.memory_space<semaphore_mem>>)
        } else {
        }
        %mul3A_96 = arith.constant 80 : i32
        %mul3A_97 = arith.muli %mul3A_90, %mul3A_96 : i32
        %dma_wait3A_98 = tpu.memref_slice %arg18[%mul3A_97] : memref<10000xi32, #tpu.memory_space<vmem>> -> memref<80xi32, #tpu.memory_space<vmem>>
        %dma_wait3A_99 = arith.constant 0 : i32
        %dma_wait3A_100 = arith.constant 0 : i32
        %dma_wait3A_101 = tpu.memref_slice %arg2[%dma_wait3A_99, %dma_wait3A_100] : memref<10240x128xf32, #tpu.memory_space<hbm>> -> memref<10240x128xf32, #tpu.memory_space<hbm>>
        tpu.wait_indirect_dma semaphore(%arg23 : memref<!tpu.dma_semaphore, #tpu.memory_space<semaphore_mem>>) src(%dma_wait3A_101 : memref<10240x128xf32, #tpu.memory_space<hbm>>) dst(%arg20 : memref<80x128xf32, #tpu.memory_space<vmem>>)
        %mul3A_102 = arith.constant 80 : i32
        %mul3A_103 = arith.muli %mul3A_90, %mul3A_102 : i32
        "tpu.region"() ({
          %run_scoped3A = tpu.sem_alloc : memref<!tpu.dma_semaphore, #tpu.memory_space<semaphore_mem>>
          %dma_start3A_127 = tpu.memref_slice %arg19[%mul3A_103] : memref<10000xi32, #tpu.memory_space<vmem>> -> memref<80xi32, #tpu.memory_space<vmem>>
          %dma_start3A_128 = arith.constant 0 : i32
          %dma_start3A_129 = arith.constant 0 : i32
          %dma_start3A_130 = tpu.memref_slice %arg16[%dma_start3A_128, %dma_start3A_129] : memref<10240x128xf32, #tpu.memory_space<vmem_shared>> -> memref<10240x128xf32, #tpu.memory_space<vmem_shared>>
          tpu.enqueue_indirect_dma source(%arg20 : memref<80x128xf32, #tpu.memory_space<vmem>>) target(%dma_start3A_130 : memref<10240x128xf32, #tpu.memory_space<vmem_shared>>) offsets(%dma_start3A_127 : memref<80xi32, #tpu.memory_space<vmem>>) semaphore(%run_scoped3A : memref<!tpu.dma_semaphore, #tpu.memory_space<semaphore_mem>>) {add = true}
          %dma_wait3A_131 = tpu.memref_slice %arg19[%mul3A_103] : memref<10000xi32, #tpu.memory_space<vmem>> -> memref<80xi32, #tpu.memory_space<vmem>>
          %dma_wait3A_132 = arith.constant 0 : i32
          %dma_wait3A_133 = arith.constant 0 : i32
          %dma_wait3A_134 = tpu.memref_slice %arg16[%dma_wait3A_132, %dma_wait3A_133] : memref<10240x128xf32, #tpu.memory_space<vmem_shared>> -> memref<10240x128xf32, #tpu.memory_space<vmem_shared>>
          tpu.wait_indirect_dma semaphore(%run_scoped3A : memref<!tpu.dma_semaphore, #tpu.memory_space<semaphore_mem>>) src(%arg20 : memref<80x128xf32, #tpu.memory_space<vmem>>) dst(%dma_wait3A_134 : memref<10240x128xf32, #tpu.memory_space<vmem_shared>>)
          tpu.yield
        }) : () -> ()
        %mul3A_104 = arith.constant 80 : i32
        %mul3A_105 = arith.muli %mul3A_90, %mul3A_104 : i32
        "tpu.region"() ({
          %run_scoped3A = tpu.sem_alloc : memref<!tpu.dma_semaphore, #tpu.memory_space<semaphore_mem>>
          %dma_start3A_127 = tpu.memref_slice %arg19[%mul3A_105] : memref<10000xi32, #tpu.memory_space<vmem>> -> memref<80xi32, #tpu.memory_space<vmem>>
          %dma_start3A_128 = arith.constant 0 : i32
          %dma_start3A_129 = tpu.memref_slice %arg17[%dma_start3A_128] : memref<10240xf32, #tpu.memory_space<vmem_shared>> -> memref<10240xf32, #tpu.memory_space<vmem_shared>>
          tpu.enqueue_indirect_dma source(%arg22 : memref<80xf32, #tpu.memory_space<vmem>>) target(%dma_start3A_129 : memref<10240xf32, #tpu.memory_space<vmem_shared>>) offsets(%dma_start3A_127 : memref<80xi32, #tpu.memory_space<vmem>>) semaphore(%run_scoped3A : memref<!tpu.dma_semaphore, #tpu.memory_space<semaphore_mem>>) {add = true}
          %dma_wait3A_130 = tpu.memref_slice %arg19[%mul3A_105] : memref<10000xi32, #tpu.memory_space<vmem>> -> memref<80xi32, #tpu.memory_space<vmem>>
          %dma_wait3A_131 = arith.constant 0 : i32
          %dma_wait3A_132 = tpu.memref_slice %arg17[%dma_wait3A_131] : memref<10240xf32, #tpu.memory_space<vmem_shared>> -> memref<10240xf32, #tpu.memory_space<vmem_shared>>
          tpu.wait_indirect_dma semaphore(%run_scoped3A : memref<!tpu.dma_semaphore, #tpu.memory_space<semaphore_mem>>) src(%arg22 : memref<80xf32, #tpu.memory_space<vmem>>) dst(%dma_wait3A_132 : memref<10240xf32, #tpu.memory_space<vmem_shared>>)
          tpu.yield
        }) : () -> ()
        %mul3A_106 = arith.constant 2 : i32
        %mul3A_107 = arith.muli %scan3A_88, %mul3A_106 : i32
        %add3A_108 = arith.constant 1 : i32
        %add3A_109 = arith.addi %mul3A_107, %add3A_108 : i32
        %add3A_110 = arith.constant 1 : i32
        %add3A_111 = arith.addi %add3A_109, %add3A_110 : i32
        %lt3A_112 = arith.constant 125 : i32
        %lt3A_113 = arith.cmpi slt, %add3A_111, %lt3A_112 : i32
        %convert_element_type3A_114 = arith.extui %lt3A_113 : i1 to i32
        %cond3A_115 = arith.constant 0 : i32
        %cond3A_116 = arith.cmpi ne, %convert_element_type3A_114, %cond3A_115 : i32
        scf.if %cond3A_116 {
          %add3A_127 = arith.constant 1 : i32
          %add3A_128 = arith.addi %add3A_109, %add3A_127 : i32
          %mul3A_129 = arith.constant 80 : i32
          %mul3A_130 = arith.muli %add3A_128, %mul3A_129 : i32
          %dma_start3A_131 = tpu.memref_slice %arg18[%mul3A_130] : memref<10000xi32, #tpu.memory_space<vmem>> -> memref<80xi32, #tpu.memory_space<vmem>>
          %dma_start3A_132 = arith.constant 0 : i32
          %dma_start3A_133 = arith.constant 0 : i32
          %dma_start3A_134 = tpu.memref_slice %arg2[%dma_start3A_132, %dma_start3A_133] : memref<10240x128xf32, #tpu.memory_space<hbm>> -> memref<10240x128xf32, #tpu.memory_space<hbm>>
          tpu.enqueue_indirect_dma source(%dma_start3A_134 : memref<10240x128xf32, #tpu.memory_space<hbm>>) target(%arg20 : memref<80x128xf32, #tpu.memory_space<vmem>>) offsets(%dma_start3A_131 : memref<80xi32, #tpu.memory_space<vmem>>) semaphore(%arg23 : memref<!tpu.dma_semaphore, #tpu.memory_space<semaphore_mem>>)
        } else {
        }
        %mul3A_117 = arith.constant 80 : i32
        %mul3A_118 = arith.muli %add3A_109, %mul3A_117 : i32
        %dma_wait3A_119 = tpu.memref_slice %arg18[%mul3A_118] : memref<10000xi32, #tpu.memory_space<vmem>> -> memref<80xi32, #tpu.memory_space<vmem>>
        %dma_wait3A_120 = arith.constant 0 : i32
        %dma_wait3A_121 = arith.constant 0 : i32
        %dma_wait3A_122 = tpu.memref_slice %arg2[%dma_wait3A_120, %dma_wait3A_121] : memref<10240x128xf32, #tpu.memory_space<hbm>> -> memref<10240x128xf32, #tpu.memory_space<hbm>>
        tpu.wait_indirect_dma semaphore(%arg24 : memref<!tpu.dma_semaphore, #tpu.memory_space<semaphore_mem>>) src(%dma_wait3A_122 : memref<10240x128xf32, #tpu.memory_space<hbm>>) dst(%arg21 : memref<80x128xf32, #tpu.memory_space<vmem>>)
        %mul3A_123 = arith.constant 80 : i32
        %mul3A_124 = arith.muli %add3A_109, %mul3A_123 : i32
        "tpu.region"() ({
          %run_scoped3A = tpu.sem_alloc : memref<!tpu.dma_semaphore, #tpu.memory_space<semaphore_mem>>
          %dma_start3A_127 = tpu.memref_slice %arg19[%mul3A_124] : memref<10000xi32, #tpu.memory_space<vmem>> -> memref<80xi32, #tpu.memory_space<vmem>>
          %dma_start3A_128 = arith.constant 0 : i32
          %dma_start3A_129 = arith.constant 0 : i32
          %dma_start3A_130 = tpu.memref_slice %arg16[%dma_start3A_128, %dma_start3A_129] : memref<10240x128xf32, #tpu.memory_space<vmem_shared>> -> memref<10240x128xf32, #tpu.memory_space<vmem_shared>>
          tpu.enqueue_indirect_dma source(%arg21 : memref<80x128xf32, #tpu.memory_space<vmem>>) target(%dma_start3A_130 : memref<10240x128xf32, #tpu.memory_space<vmem_shared>>) offsets(%dma_start3A_127 : memref<80xi32, #tpu.memory_space<vmem>>) semaphore(%run_scoped3A : memref<!tpu.dma_semaphore, #tpu.memory_space<semaphore_mem>>) {add = true}
          %dma_wait3A_131 = tpu.memref_slice %arg19[%mul3A_124] : memref<10000xi32, #tpu.memory_space<vmem>> -> memref<80xi32, #tpu.memory_space<vmem>>
          %dma_wait3A_132 = arith.constant 0 : i32
          %dma_wait3A_133 = arith.constant 0 : i32
          %dma_wait3A_134 = tpu.memref_slice %arg16[%dma_wait3A_132, %dma_wait3A_133] : memref<10240x128xf32, #tpu.memory_space<vmem_shared>> -> memref<10240x128xf32, #tpu.memory_space<vmem_shared>>
          tpu.wait_indirect_dma semaphore(%run_scoped3A : memref<!tpu.dma_semaphore, #tpu.memory_space<semaphore_mem>>) src(%arg21 : memref<80x128xf32, #tpu.memory_space<vmem>>) dst(%dma_wait3A_134 : memref<10240x128xf32, #tpu.memory_space<vmem_shared>>)
          tpu.yield
        }) : () -> ()
        %mul3A_125 = arith.constant 80 : i32
        %mul3A_126 = arith.muli %add3A_109, %mul3A_125 : i32
        "tpu.region"() ({
          %run_scoped3A = tpu.sem_alloc : memref<!tpu.dma_semaphore, #tpu.memory_space<semaphore_mem>>
          %dma_start3A_127 = tpu.memref_slice %arg19[%mul3A_126] : memref<10000xi32, #tpu.memory_space<vmem>> -> memref<80xi32, #tpu.memory_space<vmem>>
          %dma_start3A_128 = arith.constant 0 : i32
          %dma_start3A_129 = tpu.memref_slice %arg17[%dma_start3A_128] : memref<10240xf32, #tpu.memory_space<vmem_shared>> -> memref<10240xf32, #tpu.memory_space<vmem_shared>>
          tpu.enqueue_indirect_dma source(%arg22 : memref<80xf32, #tpu.memory_space<vmem>>) target(%dma_start3A_129 : memref<10240xf32, #tpu.memory_space<vmem_shared>>) offsets(%dma_start3A_127 : memref<80xi32, #tpu.memory_space<vmem>>) semaphore(%run_scoped3A : memref<!tpu.dma_semaphore, #tpu.memory_space<semaphore_mem>>) {add = true}
          %dma_wait3A_130 = tpu.memref_slice %arg19[%mul3A_126] : memref<10000xi32, #tpu.memory_space<vmem>> -> memref<80xi32, #tpu.memory_space<vmem>>
          %dma_wait3A_131 = arith.constant 0 : i32
          %dma_wait3A_132 = tpu.memref_slice %arg17[%dma_wait3A_131] : memref<10240xf32, #tpu.memory_space<vmem_shared>> -> memref<10240xf32, #tpu.memory_space<vmem_shared>>
          tpu.wait_indirect_dma semaphore(%run_scoped3A : memref<!tpu.dma_semaphore, #tpu.memory_space<semaphore_mem>>) src(%arg22 : memref<80xf32, #tpu.memory_space<vmem>>) dst(%dma_wait3A_132 : memref<10240xf32, #tpu.memory_space<vmem_shared>>)
          tpu.yield
        }) : () -> ()
      }
      %scan3A_83 = arith.constant 62 : i32
      %dma_wait3A = arith.constant 9920 : i32
      %dma_wait3A_84 = tpu.memref_slice %arg18[%dma_wait3A] : memref<10000xi32, #tpu.memory_space<vmem>> -> memref<80xi32, #tpu.memory_space<vmem>>
      %dma_wait3A_85 = arith.constant 0 : i32
      %dma_wait3A_86 = arith.constant 0 : i32
      %dma_wait3A_87 = tpu.memref_slice %arg2[%dma_wait3A_85, %dma_wait3A_86] : memref<10240x128xf32, #tpu.memory_space<hbm>> -> memref<10240x128xf32, #tpu.memory_space<hbm>>
      tpu.wait_indirect_dma semaphore(%arg23 : memref<!tpu.dma_semaphore, #tpu.memory_space<semaphore_mem>>) src(%dma_wait3A_87 : memref<10240x128xf32, #tpu.memory_space<hbm>>) dst(%arg20 : memref<80x128xf32, #tpu.memory_space<vmem>>)
      "tpu.region"() ({
        %run_scoped3A = tpu.sem_alloc : memref<!tpu.dma_semaphore, #tpu.memory_space<semaphore_mem>>
        %dma_start3A_88 = arith.constant 9920 : i32
        %dma_start3A_89 = tpu.memref_slice %arg19[%dma_start3A_88] : memref<10000xi32, #tpu.memory_space<vmem>> -> memref<80xi32, #tpu.memory_space<vmem>>
        %dma_start3A_90 = arith.constant 0 : i32
        %dma_start3A_91 = arith.constant 0 : i32
        %dma_start3A_92 = tpu.memref_slice %arg16[%dma_start3A_90, %dma_start3A_91] : memref<10240x128xf32, #tpu.memory_space<vmem_shared>> -> memref<10240x128xf32, #tpu.memory_space<vmem_shared>>
        tpu.enqueue_indirect_dma source(%arg20 : memref<80x128xf32, #tpu.memory_space<vmem>>) target(%dma_start3A_92 : memref<10240x128xf32, #tpu.memory_space<vmem_shared>>) offsets(%dma_start3A_89 : memref<80xi32, #tpu.memory_space<vmem>>) semaphore(%run_scoped3A : memref<!tpu.dma_semaphore, #tpu.memory_space<semaphore_mem>>) {add = true}
        %dma_wait3A_93 = arith.constant 9920 : i32
        %dma_wait3A_94 = tpu.memref_slice %arg19[%dma_wait3A_93] : memref<10000xi32, #tpu.memory_space<vmem>> -> memref<80xi32, #tpu.memory_space<vmem>>
        %dma_wait3A_95 = arith.constant 0 : i32
        %dma_wait3A_96 = arith.constant 0 : i32
        %dma_wait3A_97 = tpu.memref_slice %arg16[%dma_wait3A_95, %dma_wait3A_96] : memref<10240x128xf32, #tpu.memory_space<vmem_shared>> -> memref<10240x128xf32, #tpu.memory_space<vmem_shared>>
        tpu.wait_indirect_dma semaphore(%run_scoped3A : memref<!tpu.dma_semaphore, #tpu.memory_space<semaphore_mem>>) src(%arg20 : memref<80x128xf32, #tpu.memory_space<vmem>>) dst(%dma_wait3A_97 : memref<10240x128xf32, #tpu.memory_space<vmem_shared>>)
        tpu.yield
      }) : () -> ()
      "tpu.region"() ({
        %run_scoped3A = tpu.sem_alloc : memref<!tpu.dma_semaphore, #tpu.memory_space<semaphore_mem>>
        %dma_start3A_88 = arith.constant 9920 : i32
        %dma_start3A_89 = tpu.memref_slice %arg19[%dma_start3A_88] : memref<10000xi32, #tpu.memory_space<vmem>> -> memref<80xi32, #tpu.memory_space<vmem>>
        %dma_start3A_90 = arith.constant 0 : i32
        %dma_start3A_91 = tpu.memref_slice %arg17[%dma_start3A_90] : memref<10240xf32, #tpu.memory_space<vmem_shared>> -> memref<10240xf32, #tpu.memory_space<vmem_shared>>
        tpu.enqueue_indirect_dma source(%arg22 : memref<80xf32, #tpu.memory_space<vmem>>) target(%dma_start3A_91 : memref<10240xf32, #tpu.memory_space<vmem_shared>>) offsets(%dma_start3A_89 : memref<80xi32, #tpu.memory_space<vmem>>) semaphore(%run_scoped3A : memref<!tpu.dma_semaphore, #tpu.memory_space<semaphore_mem>>) {add = true}
        %dma_wait3A_92 = arith.constant 9920 : i32
        %dma_wait3A_93 = tpu.memref_slice %arg19[%dma_wait3A_92] : memref<10000xi32, #tpu.memory_space<vmem>> -> memref<80xi32, #tpu.memory_space<vmem>>
        %dma_wait3A_94 = arith.constant 0 : i32
        %dma_wait3A_95 = tpu.memref_slice %arg17[%dma_wait3A_94] : memref<10240xf32, #tpu.memory_space<vmem_shared>> -> memref<10240xf32, #tpu.memory_space<vmem_shared>>
        tpu.wait_indirect_dma semaphore(%run_scoped3A : memref<!tpu.dma_semaphore, #tpu.memory_space<semaphore_mem>>) src(%arg22 : memref<80xf32, #tpu.memory_space<vmem>>) dst(%dma_wait3A_95 : memref<10240xf32, #tpu.memory_space<vmem_shared>>)
        tpu.yield
      }) : () -> ()
    } else {
    }
    %eq3A_54 = arith.constant 1 : i32
    %eq3A_55 = arith.cmpi eq, %arg0, %eq3A_54 : i32
    %convert_element_type3A_56 = arith.extui %eq3A_55 : i1 to i32
    %cond3A_57 = arith.constant 0 : i32
    %cond3A_58 = arith.cmpi ne, %convert_element_type3A_56, %cond3A_57 : i32
    scf.if %cond3A_58 {
      %mul3A_71 = arith.constant 10000 : i32
      %mul3A_72 = arith.muli %arg1, %mul3A_71 : i32
      "tpu.region"() ({
        %run_scoped3A = tpu.sem_alloc : memref<!tpu.dma_semaphore, #tpu.memory_space<semaphore_mem>>
        %dma_start3A_88 = tpu.memref_slice %arg6[%mul3A_72] : memref<160000xi32, #tpu.memory_space<hbm>> -> memref<10000xi32, #tpu.memory_space<hbm>>
        %dma_start3A_89 = tpu.memref_slice %arg6[%mul3A_72] : memref<160000xi32, #tpu.memory_space<hbm>> -> memref<10000xi32, #tpu.memory_space<hbm>>
        tpu.enqueue_dma source(%dma_start3A_89 : memref<10000xi32, #tpu.memory_space<hbm>>) target(%arg18 : memref<10000xi32, #tpu.memory_space<vmem>>) target_semaphore(%run_scoped3A : memref<!tpu.dma_semaphore, #tpu.memory_space<semaphore_mem>>)
        %dma_wait3A_90 = tpu.memref_slice %arg6[%mul3A_72] : memref<160000xi32, #tpu.memory_space<hbm>> -> memref<10000xi32, #tpu.memory_space<hbm>>
        %dma_wait3A_91 = tpu.memref_slice %arg6[%mul3A_72] : memref<160000xi32, #tpu.memory_space<hbm>> -> memref<10000xi32, #tpu.memory_space<hbm>>
        tpu.wait_dma2 semaphore(%run_scoped3A : memref<!tpu.dma_semaphore, #tpu.memory_space<semaphore_mem>>) src(%dma_wait3A_91 : memref<10000xi32, #tpu.memory_space<hbm>>) dst(%arg18 : memref<10000xi32, #tpu.memory_space<vmem>>)
        tpu.yield
      }) : () -> ()
      %mul3A_73 = arith.constant 10000 : i32
      %mul3A_74 = arith.muli %arg1, %mul3A_73 : i32
      "tpu.region"() ({
        %run_scoped3A = tpu.sem_alloc : memref<!tpu.dma_semaphore, #tpu.memory_space<semaphore_mem>>
        %dma_start3A_88 = tpu.memref_slice %arg7[%mul3A_74] : memref<160000xi32, #tpu.memory_space<hbm>> -> memref<10000xi32, #tpu.memory_space<hbm>>
        %dma_start3A_89 = tpu.memref_slice %arg7[%mul3A_74] : memref<160000xi32, #tpu.memory_space<hbm>> -> memref<10000xi32, #tpu.memory_space<hbm>>
        tpu.enqueue_dma source(%dma_start3A_89 : memref<10000xi32, #tpu.memory_space<hbm>>) target(%arg19 : memref<10000xi32, #tpu.memory_space<vmem>>) target_semaphore(%run_scoped3A : memref<!tpu.dma_semaphore, #tpu.memory_space<semaphore_mem>>)
        %dma_wait3A_90 = tpu.memref_slice %arg7[%mul3A_74] : memref<160000xi32, #tpu.memory_space<hbm>> -> memref<10000xi32, #tpu.memory_space<hbm>>
        %dma_wait3A_91 = tpu.memref_slice %arg7[%mul3A_74] : memref<160000xi32, #tpu.memory_space<hbm>> -> memref<10000xi32, #tpu.memory_space<hbm>>
        tpu.wait_dma2 semaphore(%run_scoped3A : memref<!tpu.dma_semaphore, #tpu.memory_space<semaphore_mem>>) src(%dma_wait3A_91 : memref<10000xi32, #tpu.memory_space<hbm>>) dst(%arg19 : memref<10000xi32, #tpu.memory_space<vmem>>)
        tpu.yield
      }) : () -> ()
      %dma_start3A = arith.constant 0 : i32
      %dma_start3A_75 = tpu.memref_slice %arg18[%dma_start3A] : memref<10000xi32, #tpu.memory_space<vmem>> -> memref<80xi32, #tpu.memory_space<vmem>>
      %dma_start3A_76 = arith.constant 0 : i32
      %dma_start3A_77 = arith.constant 0 : i32
      %dma_start3A_78 = tpu.memref_slice %arg3[%dma_start3A_76, %dma_start3A_77] : memref<10240x128xf32, #tpu.memory_space<hbm>> -> memref<10240x128xf32, #tpu.memory_space<hbm>>
      tpu.enqueue_indirect_dma source(%dma_start3A_78 : memref<10240x128xf32, #tpu.memory_space<hbm>>) target(%arg20 : memref<80x128xf32, #tpu.memory_space<vmem>>) offsets(%dma_start3A_75 : memref<80xi32, #tpu.memory_space<vmem>>) semaphore(%arg23 : memref<!tpu.dma_semaphore, #tpu.memory_space<semaphore_mem>>)
      %scan3A = arith.constant 0 : i32
      %scan3A_79 = arith.constant 0 : i32
      %scan3A_80 = arith.constant 62 : i32
      %scan3A_81 = arith.addi %scan3A_79, %scan3A_80 : i32
      %scan3A_82 = arith.constant 1 : i32
      scf.for %scan3A_88 = %scan3A_79 to %scan3A_81 step %scan3A_82  : i32 {
        %mul3A_89 = arith.constant 2 : i32
        %mul3A_90 = arith.muli %scan3A_88, %mul3A_89 : i32
        %add3A = arith.constant 1 : i32
        %add3A_91 = arith.addi %mul3A_90, %add3A : i32
        %lt3A = arith.constant 125 : i32
        %lt3A_92 = arith.cmpi slt, %add3A_91, %lt3A : i32
        %convert_element_type3A_93 = arith.extui %lt3A_92 : i1 to i32
        %cond3A_94 = arith.constant 0 : i32
        %cond3A_95 = arith.cmpi ne, %convert_element_type3A_93, %cond3A_94 : i32
        scf.if %cond3A_95 {
          %add3A_123 = arith.constant 1 : i32
          %add3A_124 = arith.addi %mul3A_90, %add3A_123 : i32
          %mul3A_125 = arith.constant 80 : i32
          %mul3A_126 = arith.muli %add3A_124, %mul3A_125 : i32
          %dma_start3A_127 = tpu.memref_slice %arg18[%mul3A_126] : memref<10000xi32, #tpu.memory_space<vmem>> -> memref<80xi32, #tpu.memory_space<vmem>>
          %dma_start3A_128 = arith.constant 0 : i32
          %dma_start3A_129 = arith.constant 0 : i32
          %dma_start3A_130 = tpu.memref_slice %arg3[%dma_start3A_128, %dma_start3A_129] : memref<10240x128xf32, #tpu.memory_space<hbm>> -> memref<10240x128xf32, #tpu.memory_space<hbm>>
          tpu.enqueue_indirect_dma source(%dma_start3A_130 : memref<10240x128xf32, #tpu.memory_space<hbm>>) target(%arg21 : memref<80x128xf32, #tpu.memory_space<vmem>>) offsets(%dma_start3A_127 : memref<80xi32, #tpu.memory_space<vmem>>) semaphore(%arg24 : memref<!tpu.dma_semaphore, #tpu.memory_space<semaphore_mem>>)
        } else {
        }
        %mul3A_96 = arith.constant 80 : i32
        %mul3A_97 = arith.muli %mul3A_90, %mul3A_96 : i32
        %dma_wait3A_98 = tpu.memref_slice %arg18[%mul3A_97] : memref<10000xi32, #tpu.memory_space<vmem>> -> memref<80xi32, #tpu.memory_space<vmem>>
        %dma_wait3A_99 = arith.constant 0 : i32
        %dma_wait3A_100 = arith.constant 0 : i32
        %dma_wait3A_101 = tpu.memref_slice %arg3[%dma_wait3A_99, %dma_wait3A_100] : memref<10240x128xf32, #tpu.memory_space<hbm>> -> memref<10240x128xf32, #tpu.memory_space<hbm>>
        tpu.wait_indirect_dma semaphore(%arg23 : memref<!tpu.dma_semaphore, #tpu.memory_space<semaphore_mem>>) src(%dma_wait3A_101 : memref<10240x128xf32, #tpu.memory_space<hbm>>) dst(%arg20 : memref<80x128xf32, #tpu.memory_space<vmem>>)
        %mul3A_102 = arith.constant 80 : i32
        %mul3A_103 = arith.muli %mul3A_90, %mul3A_102 : i32
        "tpu.region"() ({
          %run_scoped3A = tpu.sem_alloc : memref<!tpu.dma_semaphore, #tpu.memory_space<semaphore_mem>>
          %dma_start3A_123 = tpu.memref_slice %arg19[%mul3A_103] : memref<10000xi32, #tpu.memory_space<vmem>> -> memref<80xi32, #tpu.memory_space<vmem>>
          %dma_start3A_124 = arith.constant 0 : i32
          %dma_start3A_125 = arith.constant 0 : i32
          %dma_start3A_126 = tpu.memref_slice %arg16[%dma_start3A_124, %dma_start3A_125] : memref<10240x128xf32, #tpu.memory_space<vmem_shared>> -> memref<10240x128xf32, #tpu.memory_space<vmem_shared>>
          tpu.enqueue_indirect_dma source(%arg20 : memref<80x128xf32, #tpu.memory_space<vmem>>) target(%dma_start3A_126 : memref<10240x128xf32, #tpu.memory_space<vmem_shared>>) offsets(%dma_start3A_123 : memref<80xi32, #tpu.memory_space<vmem>>) semaphore(%run_scoped3A : memref<!tpu.dma_semaphore, #tpu.memory_space<semaphore_mem>>) {add = true}
          %dma_wait3A_127 = tpu.memref_slice %arg19[%mul3A_103] : memref<10000xi32, #tpu.memory_space<vmem>> -> memref<80xi32, #tpu.memory_space<vmem>>
          %dma_wait3A_128 = arith.constant 0 : i32
          %dma_wait3A_129 = arith.constant 0 : i32
          %dma_wait3A_130 = tpu.memref_slice %arg16[%dma_wait3A_128, %dma_wait3A_129] : memref<10240x128xf32, #tpu.memory_space<vmem_shared>> -> memref<10240x128xf32, #tpu.memory_space<vmem_shared>>
          tpu.wait_indirect_dma semaphore(%run_scoped3A : memref<!tpu.dma_semaphore, #tpu.memory_space<semaphore_mem>>) src(%arg20 : memref<80x128xf32, #tpu.memory_space<vmem>>) dst(%dma_wait3A_130 : memref<10240x128xf32, #tpu.memory_space<vmem_shared>>)
          tpu.yield
        }) : () -> ()
        %mul3A_104 = arith.constant 2 : i32
        %mul3A_105 = arith.muli %scan3A_88, %mul3A_104 : i32
        %add3A_106 = arith.constant 1 : i32
        %add3A_107 = arith.addi %mul3A_105, %add3A_106 : i32
        %add3A_108 = arith.constant 1 : i32
        %add3A_109 = arith.addi %add3A_107, %add3A_108 : i32
        %lt3A_110 = arith.constant 125 : i32
        %lt3A_111 = arith.cmpi slt, %add3A_109, %lt3A_110 : i32
        %convert_element_type3A_112 = arith.extui %lt3A_111 : i1 to i32
        %cond3A_113 = arith.constant 0 : i32
        %cond3A_114 = arith.cmpi ne, %convert_element_type3A_112, %cond3A_113 : i32
        scf.if %cond3A_114 {
          %add3A_123 = arith.constant 1 : i32
          %add3A_124 = arith.addi %add3A_107, %add3A_123 : i32
          %mul3A_125 = arith.constant 80 : i32
          %mul3A_126 = arith.muli %add3A_124, %mul3A_125 : i32
          %dma_start3A_127 = tpu.memref_slice %arg18[%mul3A_126] : memref<10000xi32, #tpu.memory_space<vmem>> -> memref<80xi32, #tpu.memory_space<vmem>>
          %dma_start3A_128 = arith.constant 0 : i32
          %dma_start3A_129 = arith.constant 0 : i32
          %dma_start3A_130 = tpu.memref_slice %arg3[%dma_start3A_128, %dma_start3A_129] : memref<10240x128xf32, #tpu.memory_space<hbm>> -> memref<10240x128xf32, #tpu.memory_space<hbm>>
          tpu.enqueue_indirect_dma source(%dma_start3A_130 : memref<10240x128xf32, #tpu.memory_space<hbm>>) target(%arg20 : memref<80x128xf32, #tpu.memory_space<vmem>>) offsets(%dma_start3A_127 : memref<80xi32, #tpu.memory_space<vmem>>) semaphore(%arg23 : memref<!tpu.dma_semaphore, #tpu.memory_space<semaphore_mem>>)
        } else {
        }
        %mul3A_115 = arith.constant 80 : i32
        %mul3A_116 = arith.muli %add3A_107, %mul3A_115 : i32
        %dma_wait3A_117 = tpu.memref_slice %arg18[%mul3A_116] : memref<10000xi32, #tpu.memory_space<vmem>> -> memref<80xi32, #tpu.memory_space<vmem>>
        %dma_wait3A_118 = arith.constant 0 : i32
        %dma_wait3A_119 = arith.constant 0 : i32
        %dma_wait3A_120 = tpu.memref_slice %arg3[%dma_wait3A_118, %dma_wait3A_119] : memref<10240x128xf32, #tpu.memory_space<hbm>> -> memref<10240x128xf32, #tpu.memory_space<hbm>>
        tpu.wait_indirect_dma semaphore(%arg24 : memref<!tpu.dma_semaphore, #tpu.memory_space<semaphore_mem>>) src(%dma_wait3A_120 : memref<10240x128xf32, #tpu.memory_space<hbm>>) dst(%arg21 : memref<80x128xf32, #tpu.memory_space<vmem>>)
        %mul3A_121 = arith.constant 80 : i32
        %mul3A_122 = arith.muli %add3A_107, %mul3A_121 : i32
        "tpu.region"() ({
          %run_scoped3A = tpu.sem_alloc : memref<!tpu.dma_semaphore, #tpu.memory_space<semaphore_mem>>
          %dma_start3A_123 = tpu.memref_slice %arg19[%mul3A_122] : memref<10000xi32, #tpu.memory_space<vmem>> -> memref<80xi32, #tpu.memory_space<vmem>>
          %dma_start3A_124 = arith.constant 0 : i32
          %dma_start3A_125 = arith.constant 0 : i32
          %dma_start3A_126 = tpu.memref_slice %arg16[%dma_start3A_124, %dma_start3A_125] : memref<10240x128xf32, #tpu.memory_space<vmem_shared>> -> memref<10240x128xf32, #tpu.memory_space<vmem_shared>>
          tpu.enqueue_indirect_dma source(%arg21 : memref<80x128xf32, #tpu.memory_space<vmem>>) target(%dma_start3A_126 : memref<10240x128xf32, #tpu.memory_space<vmem_shared>>) offsets(%dma_start3A_123 : memref<80xi32, #tpu.memory_space<vmem>>) semaphore(%run_scoped3A : memref<!tpu.dma_semaphore, #tpu.memory_space<semaphore_mem>>) {add = true}
          %dma_wait3A_127 = tpu.memref_slice %arg19[%mul3A_122] : memref<10000xi32, #tpu.memory_space<vmem>> -> memref<80xi32, #tpu.memory_space<vmem>>
          %dma_wait3A_128 = arith.constant 0 : i32
          %dma_wait3A_129 = arith.constant 0 : i32
          %dma_wait3A_130 = tpu.memref_slice %arg16[%dma_wait3A_128, %dma_wait3A_129] : memref<10240x128xf32, #tpu.memory_space<vmem_shared>> -> memref<10240x128xf32, #tpu.memory_space<vmem_shared>>
          tpu.wait_indirect_dma semaphore(%run_scoped3A : memref<!tpu.dma_semaphore, #tpu.memory_space<semaphore_mem>>) src(%arg21 : memref<80x128xf32, #tpu.memory_space<vmem>>) dst(%dma_wait3A_130 : memref<10240x128xf32, #tpu.memory_space<vmem_shared>>)
          tpu.yield
        }) : () -> ()
      }
      %scan3A_83 = arith.constant 62 : i32
      %dma_wait3A = arith.constant 9920 : i32
      %dma_wait3A_84 = tpu.memref_slice %arg18[%dma_wait3A] : memref<10000xi32, #tpu.memory_space<vmem>> -> memref<80xi32, #tpu.memory_space<vmem>>
      %dma_wait3A_85 = arith.constant 0 : i32
      %dma_wait3A_86 = arith.constant 0 : i32
      %dma_wait3A_87 = tpu.memref_slice %arg3[%dma_wait3A_85, %dma_wait3A_86] : memref<10240x128xf32, #tpu.memory_space<hbm>> -> memref<10240x128xf32, #tpu.memory_space<hbm>>
      tpu.wait_indirect_dma semaphore(%arg23 : memref<!tpu.dma_semaphore, #tpu.memory_space<semaphore_mem>>) src(%dma_wait3A_87 : memref<10240x128xf32, #tpu.memory_space<hbm>>) dst(%arg20 : memref<80x128xf32, #tpu.memory_space<vmem>>)
      "tpu.region"() ({
        %run_scoped3A = tpu.sem_alloc : memref<!tpu.dma_semaphore, #tpu.memory_space<semaphore_mem>>
        %dma_start3A_88 = arith.constant 9920 : i32
        %dma_start3A_89 = tpu.memref_slice %arg19[%dma_start3A_88] : memref<10000xi32, #tpu.memory_space<vmem>> -> memref<80xi32, #tpu.memory_space<vmem>>
        %dma_start3A_90 = arith.constant 0 : i32
        %dma_start3A_91 = arith.constant 0 : i32
        %dma_start3A_92 = tpu.memref_slice %arg16[%dma_start3A_90, %dma_start3A_91] : memref<10240x128xf32, #tpu.memory_space<vmem_shared>> -> memref<10240x128xf32, #tpu.memory_space<vmem_shared>>
        tpu.enqueue_indirect_dma source(%arg20 : memref<80x128xf32, #tpu.memory_space<vmem>>) target(%dma_start3A_92 : memref<10240x128xf32, #tpu.memory_space<vmem_shared>>) offsets(%dma_start3A_89 : memref<80xi32, #tpu.memory_space<vmem>>) semaphore(%run_scoped3A : memref<!tpu.dma_semaphore, #tpu.memory_space<semaphore_mem>>) {add = true}
        %dma_wait3A_93 = arith.constant 9920 : i32
        %dma_wait3A_94 = tpu.memref_slice %arg19[%dma_wait3A_93] : memref<10000xi32, #tpu.memory_space<vmem>> -> memref<80xi32, #tpu.memory_space<vmem>>
        %dma_wait3A_95 = arith.constant 0 : i32
        %dma_wait3A_96 = arith.constant 0 : i32
        %dma_wait3A_97 = tpu.memref_slice %arg16[%dma_wait3A_95, %dma_wait3A_96] : memref<10240x128xf32, #tpu.memory_space<vmem_shared>> -> memref<10240x128xf32, #tpu.memory_space<vmem_shared>>
        tpu.wait_indirect_dma semaphore(%run_scoped3A : memref<!tpu.dma_semaphore, #tpu.memory_space<semaphore_mem>>) src(%arg20 : memref<80x128xf32, #tpu.memory_space<vmem>>) dst(%dma_wait3A_97 : memref<10240x128xf32, #tpu.memory_space<vmem_shared>>)
        tpu.yield
      }) : () -> ()
    } else {
    }
    %barrier3A_59 = arith.constant 0 : index
    tpu.barrier barrier_id(%barrier3A_59)
    %eq3A_60 = arith.constant 0 : i32
    %eq3A_61 = arith.cmpi eq, %arg0, %eq3A_60 : i32
    %convert_element_type3A_62 = arith.extui %eq3A_61 : i1 to i32
    %cond3A_63 = arith.constant 0 : i32
    %cond3A_64 = arith.cmpi ne, %convert_element_type3A_62, %cond3A_63 : i32
    scf.if %cond3A_64 {
      "tpu.region"() ({
        %run_scoped3A = tpu.sem_alloc : memref<!tpu.dma_semaphore, #tpu.memory_space<semaphore_mem>>
        %dma_start3A = arith.constant 0 : i32
        %dma_start3A_71 = tpu.memref_slice %arg12[%mul3A_18, %dma_start3A] : memref<10240x128xf32, #tpu.memory_space<hbm>> -> memref<640x128xf32, #tpu.memory_space<hbm>>
        %dma_start3A_72 = arith.constant 0 : i32
        %dma_start3A_73 = tpu.memref_slice %arg16[%mul3A_18, %dma_start3A_72] : memref<10240x128xf32, #tpu.memory_space<vmem_shared>> -> memref<640x128xf32, #tpu.memory_space<vmem_shared>>
        tpu.enqueue_dma source(%dma_start3A_73 : memref<640x128xf32, #tpu.memory_space<vmem_shared>>) target(%dma_start3A_71 : memref<640x128xf32, #tpu.memory_space<hbm>>) target_semaphore(%run_scoped3A : memref<!tpu.dma_semaphore, #tpu.memory_space<semaphore_mem>>)
        %dma_wait3A = arith.constant 0 : i32
        %dma_wait3A_74 = tpu.memref_slice %arg12[%mul3A_18, %dma_wait3A] : memref<10240x128xf32, #tpu.memory_space<hbm>> -> memref<640x128xf32, #tpu.memory_space<hbm>>
        %dma_wait3A_75 = arith.constant 0 : i32
        %dma_wait3A_76 = tpu.memref_slice %arg16[%mul3A_18, %dma_wait3A_75] : memref<10240x128xf32, #tpu.memory_space<vmem_shared>> -> memref<640x128xf32, #tpu.memory_space<vmem_shared>>
        tpu.wait_dma2 semaphore(%run_scoped3A : memref<!tpu.dma_semaphore, #tpu.memory_space<semaphore_mem>>) src(%dma_wait3A_76 : memref<640x128xf32, #tpu.memory_space<vmem_shared>>) dst(%dma_wait3A_74 : memref<640x128xf32, #tpu.memory_space<hbm>>)
        tpu.yield
      }) : () -> ()
      "tpu.region"() ({
        %run_scoped3A = tpu.sem_alloc : memref<!tpu.dma_semaphore, #tpu.memory_space<semaphore_mem>>
        %dma_start3A = tpu.memref_slice %arg15[%mul3A_18] : memref<10240xf32, #tpu.memory_space<hbm>> -> memref<640xf32, #tpu.memory_space<hbm>>
        %dma_start3A_71 = tpu.memref_slice %arg17[%mul3A_18] : memref<10240xf32, #tpu.memory_space<vmem_shared>> -> memref<640xf32, #tpu.memory_space<vmem_shared>>
        tpu.enqueue_dma source(%dma_start3A_71 : memref<640xf32, #tpu.memory_space<vmem_shared>>) target(%dma_start3A : memref<640xf32, #tpu.memory_space<hbm>>) target_semaphore(%run_scoped3A : memref<!tpu.dma_semaphore, #tpu.memory_space<semaphore_mem>>)
        %dma_wait3A = tpu.memref_slice %arg15[%mul3A_18] : memref<10240xf32, #tpu.memory_space<hbm>> -> memref<640xf32, #tpu.memory_space<hbm>>
        %dma_wait3A_72 = tpu.memref_slice %arg17[%mul3A_18] : memref<10240xf32, #tpu.memory_space<vmem_shared>> -> memref<640xf32, #tpu.memory_space<vmem_shared>>
        tpu.wait_dma2 semaphore(%run_scoped3A : memref<!tpu.dma_semaphore, #tpu.memory_space<semaphore_mem>>) src(%dma_wait3A_72 : memref<640xf32, #tpu.memory_space<vmem_shared>>) dst(%dma_wait3A : memref<640xf32, #tpu.memory_space<hbm>>)
        tpu.yield
      }) : () -> ()
    } else {
    }
    %eq3A_65 = arith.constant 1 : i32
    %eq3A_66 = arith.cmpi eq, %arg0, %eq3A_65 : i32
    %convert_element_type3A_67 = arith.extui %eq3A_66 : i1 to i32
    %cond3A_68 = arith.constant 0 : i32
    %cond3A_69 = arith.cmpi ne, %convert_element_type3A_67, %cond3A_68 : i32
    scf.if %cond3A_69 {
      "tpu.region"() ({
        %run_scoped3A = tpu.sem_alloc : memref<!tpu.dma_semaphore, #tpu.memory_space<semaphore_mem>>
        %dma_start3A = arith.constant 0 : i32
        %dma_start3A_71 = tpu.memref_slice %arg13[%mul3A_18, %dma_start3A] : memref<10240x128xf32, #tpu.memory_space<hbm>> -> memref<640x128xf32, #tpu.memory_space<hbm>>
        %dma_start3A_72 = arith.constant 0 : i32
        %dma_start3A_73 = tpu.memref_slice %arg16[%mul3A_18, %dma_start3A_72] : memref<10240x128xf32, #tpu.memory_space<vmem_shared>> -> memref<640x128xf32, #tpu.memory_space<vmem_shared>>
        tpu.enqueue_dma source(%dma_start3A_73 : memref<640x128xf32, #tpu.memory_space<vmem_shared>>) target(%dma_start3A_71 : memref<640x128xf32, #tpu.memory_space<hbm>>) target_semaphore(%run_scoped3A : memref<!tpu.dma_semaphore, #tpu.memory_space<semaphore_mem>>)
        %dma_wait3A = arith.constant 0 : i32
        %dma_wait3A_74 = tpu.memref_slice %arg13[%mul3A_18, %dma_wait3A] : memref<10240x128xf32, #tpu.memory_space<hbm>> -> memref<640x128xf32, #tpu.memory_space<hbm>>
        %dma_wait3A_75 = arith.constant 0 : i32
        %dma_wait3A_76 = tpu.memref_slice %arg16[%mul3A_18, %dma_wait3A_75] : memref<10240x128xf32, #tpu.memory_space<vmem_shared>> -> memref<640x128xf32, #tpu.memory_space<vmem_shared>>
        tpu.wait_dma2 semaphore(%run_scoped3A : memref<!tpu.dma_semaphore, #tpu.memory_space<semaphore_mem>>) src(%dma_wait3A_76 : memref<640x128xf32, #tpu.memory_space<vmem_shared>>) dst(%dma_wait3A_74 : memref<640x128xf32, #tpu.memory_space<hbm>>)
        tpu.yield
      }) : () -> ()
    } else {
    }
    %barrier3A_70 = arith.constant 0 : index
    tpu.barrier barrier_id(%barrier3A_70)
    return
  }
}

</mosaic_0001>

<sc_bundles>
// kernel: _sc_sum.3.cloned.1.call-start
scs
__scs_entry_jumppad:
0x0: {  	(pc) =	sbr.rel $0x88, $3  }
0x1: {  	(tag) =	ssettag $0x0;
	lr =	simm.s32 $0x1  }
0x2: {  	[smem:$0x3F9B] =	sst lr;
	_ =	strace $0xD0000000  }
0x3: {  	_ = 	snop  }
0x4: {  	_ = 	snop  }
0x5: {  	_ = 	snop  }
0x6: {  	_ = 	snop  }
0x7: {  	_ = 	snop  }
__scs_overlays_trampoline_lowered:
0x8: {  	[smem:$0x3FAA] =	sst s0  }
0x9: {  	[smem:$0x3FAB] =	sst s1  }
0xa: {  	[smem:$0x3FAC] =	sst s2  }
0xb: {  	[smem:$0x3FAD] =	sst s3  }
0xc: {  	[smem:$0x3FAE] =	sst s4  }
0xd: {  	[smem:$0x3FAF] =	sst s5  }
0xe: {  	[smem:$0x3FB0] =	sst s6  }
0xf: {  	[smem:$0x3FB1] =	sst s7  }
0x10: {  	[smem:$0x3FB2] =	sst s8  }
0x11: {  	[smem:$0x3FB3] =	sst s9;
	s0 =	simm.s32 @!p0 $0x0  }
0x12: {  	s1 =	sld [smem:$0x3F99];
	s0 =	simm.s32 @p0 $0x1  }
0x13: {  	[smem:$0x3FB4] =	sst s0;
	s0 =	simm.s32 @!p1 $0x0  }
0x14: {  	s2 =	sld [smem:$0x3F98];
	s0 =	simm.s32 @p1 $0x1  }
0x15: {  	[smem:$0x3FB5] =	sst s0;
	s0 =	simm.s32 @!p2 $0x0  }
0x16: {  	s3 =	sld [smem:$0x3FDB];
	s0 =	simm.s32 @p2 $0x1  }
0x17: {  	s4 =	simm.s32 $0x1BF5;
	[smem:$0x3FB7] =	sst s0  }
0x18: {  	s0 =	sld [smem:$0x3F9A];
	_ =	swait.ge [sflag:s4], $0x0  }
0x19: {  	s7 =	sld [smem:$0x3F9B]  }
0x1a: {  	s8 =	sadd.s32 $0xFFFFE003, lr  }
0x1b: {  	s9 =	sadd.s32 $0xFFFFFEF7, lr;
	s5 =	simm.s32 $0xFFFFFFFF;
	p2 =	slt.u32 s8, $0xFFFFF086  }
0x1c: {  	p1 =	slt.u32 s9, $0xF7A;
	s5 =	simm.s32 @!p2 $0x0  }
0x1d: {  	s5 =	simm.s32 @p1 $0x1;
	p0 =	seq.s32 s7, s2  }
0x1e: {  	s7 =	smul.u32 @!p0 $0xF7A, s2;
	p2 =	seq.s32 @!p0 s5, $0x0  }
0x1f: {  	s9 =	smul.u32 $0xF7A, s1;
	s8 =	simm.s32 @!p0 $0x1BF5;
	p2 =	por !p2, p0  }
0x20: {  	[sflag:s8] =	ssyncset.s32 @!p0 $0xFFFFF086;
	s6 =	sadd.s32 @!p0 s3, s7;
	s7 =	simm.s32 @!p0 $0x108  }
0x21: {  	s3 =	sadd.s32 s3, s9;
	s6 =	sadd.s32 @!p0 $0x88, s6;
	s7 =	simm.s32 @p2 $0x1082  }
0x22: {  	[simem:s7], [sflag:s8] =	dma.local @!p0 [hbm:s6], $0xF7A  }
0x23: {  	s9 =	sor.u32 $0xD0000000, s2;
	s6 =	simm.s32 $0x108;
	_ =	swait.ge @!p0 [sflag:s8], $0x0  }
0x24: {  	s3 =	sadd.s32 $0x88, s3;
	s6 =	simm.s32 @!p1 $0x1082;
	[sflag:s4] =	ssyncset.s32 $0xFFFFF086  }
0x25: {  	[simem:s6], [sflag:s4] =	dma.local [hbm:s3], $0xF7A  }
0x26: {  	[smem:$0x3F9B] =	sst s1;
	(tag) =	ssettag s2;
	_ =	strace s9  }
0x27: {  	s1 =	sld [smem:$0x3FAB]  }
0x28: {  	s2 =	sld [smem:$0x3FAC]  }
0x29: {  	s4 =	sld [smem:$0x3FAE]  }
0x2a: {  	p0 =	seq.s32 s5, $0x0;
	s5 =	sld [smem:$0x3FAF]  }
0x2b: {  	s6 =	sld [smem:$0x3FB0]  }
0x2c: {  	s7 =	sld [smem:$0x3FB1]  }
0x2d: {  	s3 =	simm.s32 $0x108;
	s8 =	sld [smem:$0x3FB2]  }
0x2e: {  	s3 =	simm.s32 @!p0 $0x1082;
	s9 =	sld [smem:$0x3FB3]  }
0x2f: {  	lr =	sadd.s32 s0, s3;
	s0 =	sld [smem:$0x3FAA]  }
0x30: {  	s3 =	sld [smem:$0x3FAD]  }
0x31: {  	[smem:$0x3FB6] =	sst s10  }
0x32: {  	s10 =	sld [smem:$0x3FB4];
	_ =	sdelay $0x3  }
0x33: {  	p0 =	seq.s32 s10, $0x1;
	s10 =	sld [smem:$0x3FB6];
	_ =	sdelay $0x3  }
0x34: {  	[smem:$0x3FB6] =	sst s10  }
0x35: {  	s10 =	sld [smem:$0x3FB5];
	_ =	sdelay $0x3  }
0x36: {  	p1 =	seq.s32 s10, $0x1;
	s10 =	sld [smem:$0x3FB6];
	_ =	sdelay $0x3  }
0x37: {  	[smem:$0x3FB6] =	sst s10  }
0x38: {  	s10 =	sld [smem:$0x3FB7]  }
0x39: {  	_ = 	snop;
	(pc) =	sbr.ind lr, $3  }
0x3a: {  	_ = 	snop  }
0x3b: {  	_ = 	snop  }
0x3c: {  	p2 =	seq.s32 s10, $0x1;
	s10 =	sld [smem:$0x3FB6]  }
0x3d: {  	_ =	shalt  }
0x3e: {  	_ =	shalt  }
0x3f: {  	_ =	shalt  }
0x40: {  	_ =	shalt  }
0x41: {  	_ =	shalt  }
0x42: {  	_ =	shalt  }
0x43: {  	_ =	shalt  }
0x44: {  	_ =	shalt  }
0x45: {  	_ =	shalt  }
0x46: {  	_ =	shalt  }
0x47: {  	_ =	shalt  }
0x48: {  	_ =	shalt  }
0x49: {  	_ =	shalt  }
0x4a: {  	_ =	shalt  }
0x4b: {  	_ =	shalt  }
0x4c: {  	_ =	shalt  }
0x4d: {  	_ =	shalt  }
0x4e: {  	_ =	shalt  }
0x4f: {  	_ =	shalt  }
0x50: {  	_ =	shalt  }
0x51: {  	_ =	shalt  }
0x52: {  	_ =	shalt  }
0x53: {  	_ =	shalt  }
0x54: {  	_ =	shalt  }
0x55: {  	_ =	shalt  }
0x56: {  	_ =	shalt  }
0x57: {  	_ =	shalt  }
0x58: {  	_ =	shalt  }
0x59: {  	_ =	shalt  }
0x5a: {  	_ =	shalt  }
0x5b: {  	_ =	shalt  }
0x5c: {  	_ =	shalt  }
0x5d: {  	_ =	shalt  }
0x5e: {  	_ =	shalt  }
0x5f: {  	_ =	shalt  }
0x60: {  	_ =	shalt  }
0x61: {  	_ =	shalt  }
0x62: {  	_ =	shalt  }
0x63: {  	_ =	shalt  }
0x64: {  	_ =	shalt  }
0x65: {  	_ =	shalt  }
0x66: {  	_ =	shalt  }
0x67: {  	_ =	shalt  }
0x68: {  	_ =	shalt  }
0x69: {  	_ =	shalt  }
0x6a: {  	_ =	shalt  }
0x6b: {  	_ =	shalt  }
0x6c: {  	_ =	shalt  }
0x6d: {  	_ =	shalt  }
0x6e: {  	_ =	shalt  }
0x6f: {  	_ =	shalt  }
0x70: {  	_ =	shalt  }
0x71: {  	_ =	shalt  }
0x72: {  	_ =	shalt  }
0x73: {  	_ =	shalt  }
0x74: {  	_ =	shalt  }
0x75: {  	_ =	shalt  }
0x76: {  	_ =	shalt  }
0x77: {  	_ =	shalt  }
0x78: {  	_ =	shalt  }
0x79: {  	_ =	shalt  }
0x7a: {  	_ =	shalt  }
0x7b: {  	_ =	shalt  }
0x7c: {  	_ =	shalt  }
0x7d: {  	_ =	shalt  }
0x7e: {  	_ =	shalt  }
0x7f: {  	_ =	shalt  }
0x80: {  	_ =	shalt  }
0x81: {  	_ =	shalt  }
0x82: {  	_ =	shalt  }
0x83: {  	_ =	shalt  }
0x84: {  	_ =	shalt  }
0x85: {  	_ =	shalt  }
0x86: {  	_ =	shalt  }
0x87: {  	_ =	shalt  }
.Lfunc_end0:
.L_simem_size_0:
called_computation_lowered:
.L_overlay_start_0:
0x88: {  	s2 =	sld [smem:$0x3FD9]  }
0x89: {  	s3 =	sld [smem:$0x3FFE];
	_ =	sdelay $0x1  }
0x8a: {  	s1 =	srdreg.scid  }
0x8b: {  	s0 =	sand.u32 $0x1, s1  }
0x8c: {  	s26 =	sshll.u32 s0, $0xA;
	s2 =	sadd.s32 s3, s2  }
0x8d: {  	s2 =	sadd.s32 s2, s26  }
0x8e: {  	[smem:$0x3FC2] =	sst s2  }
0x8f: {  	_ = 	snop  }
0x90: {  	s2 =	sld [smem:$0x3FC9]  }
0x91: {  	s3 =	sld [smem:$0x3FC8]  }
0x92: {  	s4 =	sld [smem:$0x3FC7]  }
0x93: {  	s8 =	sld [smem:$0x3FD0]  }
0x94: {  	s5 =	sld [smem:$0x3FC6]  }
0x95: {  	s6 =	sld [smem:$0x3FC5]  }
0x96: {  	s13 =	simm.s32 $0xA;
	s9 =	simm.s32 $0x10;
	s7 =	sld [smem:$0x3FC4]  }
0x97: {  	[smem:s9], [sflag:s13] =	dma.local [hbm:s8], $0x1  }
0x98: {  	_ =	swait.eq [sflag:s13], $0x1  }
0x99: {  	s8 =	sld [smem:$0x10]  }
0x9a: {  	s9 =	sld [smem:$0x11]  }
0x9b: {  	s10 =	sld [smem:$0x12]  }
0x9c: {  	s11 =	sld [smem:$0x13];
	[sflag:s13] =	ssyncset.done $0x0  }
0x9d: {  	s12 =	sld [smem:$0x14];
	[sflag:s13] =	ssyncadd.s32 $0xFFFFFFFF  }
0x9e: {  	s13 =	sld [smem:$0x15];
	(tm) =	ssettm $0x1  }
0x9f: {  	s14 =	sld [smem:$0x3FFB];
	_ =	sdelay $0x3  }
0xa0: {  	_ =	strace s14  }
0xa1: {  	s14 =	sld [smem:$0x3FFC];
	_ =	sdelay $0x3  }
0xa2: {  	_ =	strace s14  }
0xa3: {  	s14 =	sld [smem:$0x3FFD];
	_ =	sdelay $0x3  }
0xa4: {  	_ =	strace s14  }
0xa5: {  	_ =	strace $0x8FFFFFFF  }
0xa6: {  	s28 =	sld [smem:$0x3FDB];
	_ =	sdelay $0x1  }
0xa7: {  	s15 =	simm.s32 $_scs_section_size  }
0xa8: {  	s16 =	simm.s32 $_size__tile_task_arg_handler_lowered;
	s17 =	simm.s32 $_tile_task_arg_handler_lowered  }
0xa9: {  	s31 =	simm.s32 $0x1BFF;
	s30 =	sshll.u32 s17, $0x1;
	s15 =	sadd.s32 s15, s28  }
0xaa: {  	s18 =	simm.s32 $0x60;
	s29 =	sshll.u32 s16, $0x1;
	s16 =	sadd.s32 s30, s15  }
0xab: {  	[timem:s18], [sflag:s31] =	dma.local [hbm:s16], s29  }
0xac: {  	_ =	swait.ge [sflag:s31], s29  }
0xad: {  	s14 =	ssub.s32 $0x0, s29;
	s18 =	simm.s32 $_tile_overlayer_lowered;
	[sflag:s31] =	ssyncset.done $0x0  }
0xae: {  	s19 =	simm.s32 $_size__tile_overlayer_lowered;
	s16 =	sshll.u32 s18, $0x1;
	[sflag:s31] =	ssyncadd.s32 s14  }
0xaf: {  	s21 =	simm.s32 $0x0;
	s20 =	sshll.u32 s19, $0x1;
	s16 =	sadd.s32 s16, s15  }
0xb0: {  	[timem:s21], [sflag:s31] =	dma.local [hbm:s16], s20  }
0xb1: {  	_ =	swait.ge [sflag:s31], s20  }
0xb2: {  	s22 =	ssub.s32 $0x0, s20;
	[sflag:s31] =	ssyncset.done $0x0  }
0xb3: {  	[sflag:s31] =	ssyncadd.s32 s22;
	_ =	sdelay $0x1  }
0xb4: {  	s23 =	simm.s32 $0x1B8B  }
0xb5: {  	_ =	swait.ge [sflag:s23], $0x1  }
0xb6: {  	[sflag:s23] =	ssyncset.done $0x0  }
0xb7: {  	s25 =	simm.s32 $0x1B8E;
	s24 =	sld [smem:$0x3FFE];
	[sflag:s23] =	ssyncadd.s32 $0xFFFFFFFF  }
0xb8: {  	s26 =	simm.s32 $execute0_lowered;
	[smem:$0x3FD2] =	sst s25  }
0xb9: {  	s17 =	sshll.u32 s26, $0x1;
	_ =	strace $0x80000046;
	[dreg:$0x1] =	wrdreg $0xFFFFFFFF  }
0xba: {  	s28 =	simm.s32 $_size_execute0_lowered;
	s15 =	sadd.s32 s15, s17;
	[dreg:$0x0] =	wrdreg $0x0  }
0xbb: {  	s17 =	sshll.u32 s28, $0x1;
	[dreg:$0x2] =	wrdreg s15  }
0xbc: {  	[dreg:$0x3] =	wrdreg s17  }
0xbd: {  	[dreg:$0x4] =	wrdreg $0xC0  }
0xbe: {  	_ =	task [dreg:s21], $0x5FFFF  }
0xbf: {  	[dreg:$0x1] =	wrdreg $0xFFFFFFFF  }
0xc0: {  	[dreg:$0x0] =	wrdreg $0x30  }
0xc1: {  	[dreg:$0x2] =	wrdreg $0x0  }
0xc2: {  	[dreg:$0x3] =	wrdreg $0x140000  }
0xc3: {  	[dreg:$0x4] =	wrdreg $0x9  }
0xc4: {  	_ =	task [dreg:s21], $0x5FFFF  }
0xc5: {  	[dreg:$0x1] =	wrdreg $0xFFFFFFFF  }
0xc6: {  	[dreg:$0x0] =	wrdreg $0x60  }
0xc7: {  	[dreg:$0x2] =	wrdreg s2  }
0xc8: {  	[dreg:$0x3] =	wrdreg s3  }
0xc9: {  	[dreg:$0x4] =	wrdreg s4  }
0xca: {  	[dreg:$0x5] =	wrdreg s5  }
0xcb: {  	[dreg:$0x6] =	wrdreg s6  }
0xcc: {  	[dreg:$0x7] =	wrdreg s7  }
0xcd: {  	[dreg:$0x8] =	wrdreg s24  }
0xce: {  	[dreg:$0x9] =	wrdreg s8  }
0xcf: {  	[dreg:$0xa] =	wrdreg s9  }
0xd0: {  	[dreg:$0xb] =	wrdreg s10  }
0xd1: {  	[dreg:$0xc] =	wrdreg s11  }
0xd2: {  	[dreg:$0xd] =	wrdreg s12  }
0xd3: {  	[dreg:$0xe] =	wrdreg s13  }
0xd4: {  	[dreg:$0xf] =	wrdreg $0x0  }
0xd5: {  	_ =	task.clear_ibuf [dreg:s21], $0x10FFFF;
	_ =	strace $0x90000046  }
0xd6: {  	s29 =	simm.s32 $0x9;
	_ =	strace $0x80000048  }
0xd7: {  	_ =	swait.ge [sflag:s29], $0x1  }
0xd8: {  	[sflag:s29] =	ssyncadd.s32 $0xFFFFFFFF  }
0xd9: {  	_ =	strace $0x90000048  }
0xda: {  	_ =	sfence  }
0xdb: {  	s30 =	sld [smem:$0x0];
	_ =	sdelay $0x2  }
0xdc: {  	s31 =	sshll.u32 s1, $0xD;
	s1 =	sshrl.u32 s1, $0x2  }
0xdd: {  	s3 =	sand.u32 $0x4000, s31;
	s1 =	sadd.s32 s1, s30  }
0xde: {  	s0 =	sor.u32 s3, s0;
	s1 =	sshll.u32 s1, $0x11  }
0xdf: {  	s0 =	sor.u32 s1, s0  }
0xe0: {  	s0 =	sadd.s32 $0x8F2B, s0  }
0xe1: {  	[sflag:s0] =	ssyncadd.remote.s32 $0x1  }
0xe2: {  	_ =	sfence.sel $0xFFFF  }
0xe3: {  	[dreg:$0x0] =	wrdreg $0xFFFFFFFF;
	(pc) =	sbr.abs _section_cstart, $3  }
0xe4: {  	[dreg:$0x1] =	wrdreg $0xFFFFFFFF  }
0xe5: {  	_ =	task.clear_ibuf [dreg:s21], $0x2FFFF;
	_ =	strace $0x9FFFFFFF  }
0xe6: {  	(tm) =	ssettm $0x7FFFFFFF  }
0xe7: {  	_ =	shalt  }
tec
_tile_task_arg_handler_lowered:
.L_overlay_start_1:
0x0: {  	(tag) =	ssettag $0x1  }
0x1: {  	s0 =	rddreg [dreg:$0x0]  }
0x2: {  	s1 =	rddreg [dreg:$0x1]  }
0x3: {  	s2 =	rddreg [dreg:$0x2]  }
0x4: {  	s3 =	rddreg [dreg:$0x3]  }
0x5: {  	s4 =	rddreg [dreg:$0x4]  }
0x6: {  	s5 =	rddreg [dreg:$0x5]  }
0x7: {  	s6 =	rddreg [dreg:$0x6]  }
0x8: {  	s7 =	rddreg [dreg:$0x7]  }
0x9: {  	s8 =	rddreg [dreg:$0x8]  }
0xa: {  	s9 =	rddreg [dreg:$0x9]  }
0xb: {  	s10 =	rddreg [dreg:$0xa]  }
0xc: {  	s11 =	rddreg [dreg:$0xb]  }
0xd: {  	s12 =	rddreg [dreg:$0xc]  }
0xe: {  	s13 =	rddreg [dreg:$0xd]  }
0xf: {  	[smem:s0] =	sst s1  }
0x10: {  	[smem:s0+$0x1] =	sst s2  }
0x11: {  	[smem:s0+$0x2] =	sst s3  }
0x12: {  	[smem:s0+$0x3] =	sst s4  }
0x13: {  	[smem:s0+$0x4] =	sst s5  }
0x14: {  	[smem:s0+$0x5] =	sst s6  }
0x15: {  	[smem:s0+$0x6] =	sst s7  }
0x16: {  	[smem:s0+$0x7] =	sst s8  }
0x17: {  	[smem:s0+$0x8] =	sst s9  }
0x18: {  	[smem:s0+$0x9] =	sst s10  }
0x19: {  	[smem:s0+$0xA] =	sst s11  }
0x1a: {  	[smem:s0+$0xB] =	sst s12  }
0x1b: {  	[smem:s0+$0xC] =	sst s13;
	_ =	shalt  }
.Lfunc_end2:
execute0_lowered:
.L_overlay_start_2:
0x1c: {  	(tag) =	ssettag $0x2  }
0x1d: {  	s0 =	rddreg [dreg:$0x0]  }
0x1e: {  	s1 =	rddreg [dreg:$0x1]  }
0x1f: {  	s2 =	rddreg [dreg:$0x2]  }
0x20: {  	s5 =	rddreg [dreg:$0x3]  }
0x21: {  	s12 =	rddreg [dreg:$0x4]  }
0x22: {  	s14 =	rddreg [dreg:$0x5]  }
0x23: {  	s8 =	rddreg [dreg:$0x6]  }
0x24: {  	s16 =	rddreg [dreg:$0x7]  }
0x25: {  	s13 =	rddreg [dreg:$0x8]  }
0x26: {  	s17 =	rddreg [dreg:$0x9]  }
0x27: {  	s18 =	rddreg [dreg:$0xa]  }
0x28: {  	s19 =	rddreg [dreg:$0xb]  }
0x29: {  	s20 =	rddreg [dreg:$0xc]  }
0x2a: {  	s3 =	rddreg [dreg:$0xd]  }
0x2b: {  	s4 =	simm.s32 $0x0;
	s7 =	srdreg.scid;
	s24 =	stileid.u32  }
0x2c: {  	s28 =	simm.s32 $0x19180;
	s29 =	simm.s32 $0x1B980;
	s30 =	simm.s32 $0x1  }
0x2d: {  	s31 =	simm.s32 $0x1E180;
	[smem:$0x7FF] =	sst s4;
	s21 =	smul.u32 $0x280, s24  }
0x2e: {  	s22 =	sand.u32 $0x1, s7;
	s7 =	sadd.s32 $0x800, s8;
	s11 =	smul.u32 $0x50000, s24  }
0x2f: {  	s8 =	sadd.s32 $0x600, s8;
	s15 =	smul.u32 $0x4E2, s24;
	s26 =	sshll.u32 s24, $0x6  }
0x30: {  	s24 =	smul.u32 $0x2800, s24;
	s6 =	sld [smem:$0x0];
	s23 =	ssub.s32 $0x2, s22  }
0x31: {  	s9 =	sld [smem:$0x1];
	p0 =	sne.s32 s22, $0x0;
	s10 =	sshrl.u32 s23, $0x1  }
0x32: {  	s25 =	sshrl.u32 s11, $0x2;
	s11 =	sadd.s32 s5, s15;
	s5 =	sadd.s32 s13, s24  }
0x33: {  	s13 =	sadd.s32 s12, s15;
	s14 =	sadd.s32 s14, s15;
	s12 =	sshrl.u32 s21, $0x3  }
0x34: {  	s16 =	sadd.s32 s16, s24;
	s23 =	ssub.s32 s23, s10;
	s25 =	sadd.s32 s25, s3  }
0x35: {  	s10 =	sadd.s32 s2, s15;
	s19 =	sadd.s32 s19, s12;
	[dreg:$0xe] =	wrdreg s9  }
0x36: {  	s2 =	sadd.s32 s20, s12;
	_ =	strace $0x80000047;
	[dreg:$0xf] =	wrdreg s5  }
0x37: {  	s9 =	sor.u32 $0x1C03, s26;
	s15 =	sadd.s32 s21, s6;
	[dreg:$0x10] =	wrdreg s16  }
.Ltmp0:
0x38: {  	s21 =	sadd.s32 s18, s24;
	[dreg:$0x11] =	wrdreg s19;
	(pc) =	sbr.rel .LBB3_1-.Ltmp0, $4  }
0x39: {  	s26 =	sadd.s32 s17, s24;
	s22 =	sshrl.u32 s25, $0x3;
	[dreg:$0x12] =	wrdreg s21  }
0x3a: {  	s24 =	simm.s32 $0x14280;
	s25 =	simm.s32 $0x16A00;
	[dreg:$0x13] =	wrdreg s26  }
0x3b: {  	[dreg:$0x14] =	wrdreg s2;
	s21 =	smax.u32 s23, $0x1;
	s23 =	simm.s32 $0x3  }
0x3c: {  	v0 =	vimm.f32 $1.000000000e+00;
	s26 =	simm.s32 $0x50;
	s2 =	simm.s32 $0x2;
	s5 =	simm.s32 $0x190C0  }
.LBB3_14:
0x3d: {  	s16 =	sadd.s32 $0x142D0, s12;
	[sflag:s23] =	ssyncadd.s32 $0xFFFFD800  }
0x3e: {  	[tilespmem:s29], [sflag:$0x2] =	stream.indirect.gather [hbm4b:s1+s26], $0x80, s16, s26, $0xb8;
	[tilespmem:$0x1E200] =	vst v63  }
0x3f: {  	_ =	swait.ge [sflag:s30], $0x2800  }
0x40: {  	[sflag:s30] =	ssyncset.done $0x0  }
0x41: {  	s17 =	sadd.s32 $0x16A00, s12;
	[sflag:s30] =	ssyncadd.s32 $0xFFFFD800  }
0x42: {  	[spmem:s3] =	stream.indirect.scatter.add.f32 [tilespmem:s28], [sflag:$0x3], $0x80, s17, s26, $0xb8;
	[tilespmem:$0x1E200] =	vst v63  }
0x43: {  	_ =	swait.ge [sflag:s23], $0x2800  }
0x44: {  	[sflag:s23] =	ssyncset.done $0x0  }
0x45: {  	s18 =	sadd.s32 $0x14320, s12;
	[sflag:s23] =	ssyncadd.s32 $0xFFFFD800  }
0x46: {  	[tilespmem:s28], [sflag:$0x1] =	stream.indirect.gather [hbm4b:s1+s26], $0x80, s18, s26, $0xb8;
	[tilespmem:$0x1E200] =	vst v63  }
0x47: {  	_ =	swait.ge [sflag:s2], $0x2800  }
0x48: {  	[sflag:s2] =	ssyncset.done $0x0  }
0x49: {  	s19 =	sadd.s32 $0x16A50, s12;
	[sflag:s2] =	ssyncadd.s32 $0xFFFFD800  }
0x4a: {  	[spmem:s3] =	stream.indirect.scatter.add.f32 [tilespmem:s29], [sflag:$0x3], $0x80, s19, s26, $0xb8;
	[tilespmem:$0x1E200] =	vst v63  }
0x4b: {  	_ =	swait.ge [sflag:s23], $0x2800  }
0x4c: {  	[sflag:s23] =	ssyncset.done $0x0  }
0x4d: {  	[sflag:s23] =	ssyncadd.s32 $0xFFFFD800  }
0x4e: {  	_ =	swait.ge [sflag:s30], $0x2800  }
0x4f: {  	[sflag:s30] =	ssyncset.done $0x0  }
0x50: {  	[sflag:s30] =	ssyncadd.s32 $0xFFFFD800  }
0x51: {  	[spmem:s3] =	stream.indirect.scatter.add.f32 [tilespmem:s28], [sflag:$0x3], $0x80, s5, s26, $0xb8;
	[tilespmem:$0x1E200] =	vst v63  }
0x52: {  	_ =	swait.ge [sflag:s23], $0x2800  }
0x53: {  	[sflag:s23] =	ssyncset.done $0x0  }
0x54: {  	[sflag:s23] =	ssyncadd.s32 $0xFFFFD800  }
0x55: {  	[bflag:$0x0] =	sbarrier.arrive $0xFFFF  }
0x56: {  	s20 =	rddreg [dreg:$0x12]  }
0x57: {  	[hbm:s20], [sflag:s9] =	dma.local [spmem:s22], $0x2800  }
0x58: {  	_ =	swait.ge [sflag:s23], $0x2800  }
0x59: {  	[sflag:s23] =	ssyncset.done $0x0  }
0x5a: {  	[sflag:s23] =	ssyncadd.s32 $0xFFFFD800  }
.LBB3_15:
0x5b: {  	s4 =	sadd.s32 $0x1, s4  }
0x5c: {  	p1 =	sne.s32 s4, s21  }
.Ltmp1:
0x5d: {  	_ = 	snop;
	(pc) =	sbr.rel @!p1 .LBB3_16-.Ltmp1, $2  }
0x5e: {  	_ =	sdelay $0x1  }
0x5f: {  	[bflag:$0x0] =	sbarrier.arrive $0xFFFF;
	_ =	sdelay $0x1  }
.LBB3_1:
0x60: {  	[tilespmem:$0x1E180] =	vst v0  }
0x61: {  	[tilespmem:$0x1E190] =	vst v0  }
0x62: {  	[tilespmem:$0x1E1A0] =	vst v0  }
0x63: {  	[tilespmem:$0x1E1B0] =	vst v0  }
.Ltmp2:
0x64: {  	[tilespmem:$0x1E1C0] =	vst v0;
	(pc) =	sbr.rel @p0 .LBB3_5-.Ltmp2, $4  }
0x65: {  	[spmem:s22], [sflag:s9] =	dma.local [hbm:s7], $0x2800  }
0x66: {  	_ =	swait.ge [sflag:s23], $0x2800  }
0x67: {  	[sflag:s23] =	ssyncset.done $0x0  }
0x68: {  	s12 =	sshrl.u32 s15, $0x3;
	[sflag:s23] =	ssyncadd.s32 $0xFFFFD800  }
0x69: {  	[spmem:s12], [sflag:s9] =	dma.local [hbm:s8], $0x50  }
0x6a: {  	_ =	swait.ge [sflag:s23], $0x50  }
0x6b: {  	[sflag:s23] =	ssyncset.done $0x0  }
0x6c: {  	[sflag:s23] =	ssyncadd.s32 $0xFFFFFFB0  }
0x6d: {  	s16 =	simm.s32 $0x0;
	[bflag:$0x0] =	sbarrier.arrive $0xFFFF  }
0x6e: {  	[tilespmem:s24], [sflag:$0x3] =	stream.linear.gather [hbm4b:s10+s16], $0x2710, $0x38;
	[tilespmem:$0x1E200] =	vst v63  }
0x6f: {  	_ =	swait.ge [sflag:s23], $0x2710  }
0x70: {  	[sflag:s23] =	ssyncset.done $0x0  }
0x71: {  	[sflag:s23] =	ssyncadd.s32 $0xFFFFD8F0  }
0x72: {  	[tilespmem:s25], [sflag:$0x3] =	stream.linear.gather [hbm4b:s11+s16], $0x2710, $0x38;
	[tilespmem:$0x1E200] =	vst v63  }
0x73: {  	_ =	swait.ge [sflag:s23], $0x2710  }
0x74: {  	[sflag:s23] =	ssyncset.done $0x0  }
0x75: {  	[sflag:s23] =	ssyncadd.s32 $0xFFFFD8F0  }
0x76: {  	[tilespmem:s28], [sflag:$0x1] =	stream.indirect.gather [hbm4b:s0+s26], $0x80, s24, s26, $0xb8;
	[tilespmem:$0x1E200] =	vst v63  }
0x77: {  	s17 =	simm.s32 $0x142D0  }
0x78: {  	[tilespmem:s29], [sflag:$0x2] =	stream.indirect.gather [hbm4b:s0+s26], $0x80, s17, s26, $0xb8;
	[tilespmem:$0x1E200] =	vst v63  }
0x79: {  	_ =	swait.ge [sflag:s30], $0x2800  }
0x7a: {  	[sflag:s30] =	ssyncset.done $0x0  }
0x7b: {  	s18 =	simm.s32 $0x16A00;
	[sflag:s30] =	ssyncadd.s32 $0xFFFFD800  }
0x7c: {  	[spmem:s3] =	stream.indirect.scatter.add.f32 [tilespmem:s28], [sflag:$0x3], $0x80, s18, s26, $0xb8;
	[tilespmem:$0x1E200] =	vst v63  }
0x7d: {  	_ =	swait.ge [sflag:s23], $0x2800  }
0x7e: {  	[sflag:s23] =	ssyncset.done $0x0  }
0x7f: {  	[sflag:s23] =	ssyncadd.s32 $0xFFFFD800  }
0x80: {  	[spmem:s6] =	stream.indirect.scatter.add.f32 [tilespmem:s31], [sflag:$0x3], $0x1, s18, s26, $0xb8;
	[tilespmem:$0x1E200] =	vst v63  }
0x81: {  	_ =	swait.ge [sflag:s23], $0x50  }
0x82: {  	[sflag:s23] =	ssyncset.done $0x0  }
0x83: {  	s19 =	simm.s32 $0x14320;
	[sflag:s23] =	ssyncadd.s32 $0xFFFFFFB0  }
0x84: {  	[tilespmem:s28], [sflag:$0x1] =	stream.indirect.gather [hbm4b:s0+s26], $0x80, s19, s26, $0xb8;
	[tilespmem:$0x1E200] =	vst v63  }
0x85: {  	_ =	swait.ge [sflag:s2], $0x2800  }
0x86: {  	[sflag:s2] =	ssyncset.done $0x0  }
0x87: {  	s20 =	simm.s32 $0x16A50;
	[sflag:s2] =	ssyncadd.s32 $0xFFFFD800  }
0x88: {  	[spmem:s3] =	stream.indirect.scatter.add.f32 [tilespmem:s29], [sflag:$0x3], $0x80, s20, s26, $0xb8;
	[tilespmem:$0x1E200] =	vst v63  }
0x89: {  	_ =	swait.ge [sflag:s23], $0x2800  }
0x8a: {  	[sflag:s23] =	ssyncset.done $0x0  }
0x8b: {  	[sflag:s23] =	ssyncadd.s32 $0xFFFFD800  }
0x8c: {  	[spmem:s6] =	stream.indirect.scatter.add.f32 [tilespmem:s31], [sflag:$0x3], $0x1, s20, s26, $0xb8;
	[tilespmem:$0x1E200] =	vst v63  }
0x8d: {  	_ =	swait.ge [sflag:s23], $0x50  }
0x8e: {  	s16 =	simm.s32 $0xA0;
	s17 =	simm.s32 $0x500;
	[sflag:s23] =	ssyncset.done $0x0  }
.LBB3_3:
0x8f: {  	s18 =	sadd.s32 $0x142D0, s16  }
0x90: {  	[sflag:s23] =	ssyncadd.s32 $0xFFFFFFB0;
	s19 =	smov.u32 s17;
	s20 =	sadd.s32 $0x280, s17  }
0x91: {  	[tilespmem:s29], [sflag:$0x2] =	stream.indirect.gather [hbm4b:s0+s26], $0x80, s18, s26, $0xb8;
	[tilespmem:$0x1E200] =	vst v63  }
0x92: {  	p1 =	seq.s32 s17, $0x9880;
	_ =	swait.ge [sflag:s30], $0x2800  }
0x93: {  	[sflag:s30] =	ssyncset.done $0x0  }
0x94: {  	s17 =	sadd.s32 $0x16A00, s16;
	[sflag:s30] =	ssyncadd.s32 $0xFFFFD800  }
0x95: {  	[spmem:s3] =	stream.indirect.scatter.add.f32 [tilespmem:s28], [sflag:$0x3], $0x80, s17, s26, $0xb8;
	[tilespmem:$0x1E200] =	vst v63  }
0x96: {  	_ =	swait.ge [sflag:s23], $0x2800  }
0x97: {  	[sflag:s23] =	ssyncset.done $0x0  }
0x98: {  	[sflag:s23] =	ssyncadd.s32 $0xFFFFD800  }
0x99: {  	[spmem:s6] =	stream.indirect.scatter.add.f32 [tilespmem:s31], [sflag:$0x3], $0x1, s17, s26, $0xb8;
	[tilespmem:$0x1E200] =	vst v63  }
0x9a: {  	_ =	swait.ge [sflag:s23], $0x50  }
0x9b: {  	[sflag:s23] =	ssyncset.done $0x0  }
0x9c: {  	s17 =	sadd.s32 $0x14320, s16;
	[sflag:s23] =	ssyncadd.s32 $0xFFFFFFB0  }
0x9d: {  	[tilespmem:s28], [sflag:$0x1] =	stream.indirect.gather [hbm4b:s0+s26], $0x80, s17, s26, $0xb8;
	[tilespmem:$0x1E200] =	vst v63  }
0x9e: {  	_ =	swait.ge [sflag:s2], $0x2800  }
0x9f: {  	[sflag:s2] =	ssyncset.done $0x0  }
0xa0: {  	s16 =	sadd.s32 $0x16A50, s16;
	[sflag:s2] =	ssyncadd.s32 $0xFFFFD800  }
0xa1: {  	[spmem:s3] =	stream.indirect.scatter.add.f32 [tilespmem:s29], [sflag:$0x3], $0x80, s16, s26, $0xb8;
	[tilespmem:$0x1E200] =	vst v63  }
0xa2: {  	_ =	swait.ge [sflag:s23], $0x2800  }
.Ltmp3:
0xa3: {  	[sflag:s23] =	ssyncset.done $0x0;
	(pc) =	sbr.rel @!p1 .LBB3_3-.Ltmp3, $4  }
0xa4: {  	[sflag:s23] =	ssyncadd.s32 $0xFFFFD800  }
0xa5: {  	[spmem:s6] =	stream.indirect.scatter.add.f32 [tilespmem:s31], [sflag:$0x3], $0x1, s16, s26, $0xb8;
	[tilespmem:$0x1E200] =	vst v63  }
0xa6: {  	_ =	swait.ge [sflag:s23], $0x50  }
0xa7: {  	s17 =	smov.u32 s20;
	s16 =	sshra.s32 s19, $0x2;
	[sflag:s23] =	ssyncset.done $0x0  }
0xa8: {  	s17 =	sadd.s32 $0x142D0, s16;
	[sflag:s23] =	ssyncadd.s32 $0xFFFFFFB0  }
0xa9: {  	[tilespmem:s29], [sflag:$0x2] =	stream.indirect.gather [hbm4b:s0+s26], $0x80, s17, s26, $0xb8;
	[tilespmem:$0x1E200] =	vst v63  }
0xaa: {  	_ =	swait.ge [sflag:s30], $0x2800  }
0xab: {  	[sflag:s30] =	ssyncset.done $0x0  }
0xac: {  	s19 =	sadd.s32 $0x16A00, s16;
	[sflag:s30] =	ssyncadd.s32 $0xFFFFD800  }
0xad: {  	[spmem:s3] =	stream.indirect.scatter.add.f32 [tilespmem:s28], [sflag:$0x3], $0x80, s19, s26, $0xb8;
	[tilespmem:$0x1E200] =	vst v63  }
0xae: {  	_ =	swait.ge [sflag:s23], $0x2800  }
0xaf: {  	[sflag:s23] =	ssyncset.done $0x0  }
0xb0: {  	[sflag:s23] =	ssyncadd.s32 $0xFFFFD800  }
0xb1: {  	[spmem:s6] =	stream.indirect.scatter.add.f32 [tilespmem:s31], [sflag:$0x3], $0x1, s19, s26, $0xb8;
	[tilespmem:$0x1E200] =	vst v63  }
0xb2: {  	_ =	swait.ge [sflag:s23], $0x50  }
0xb3: {  	[sflag:s23] =	ssyncset.done $0x0  }
0xb4: {  	s20 =	sadd.s32 $0x14320, s16;
	[sflag:s23] =	ssyncadd.s32 $0xFFFFFFB0  }
0xb5: {  	[tilespmem:s28], [sflag:$0x1] =	stream.indirect.gather [hbm4b:s0+s26], $0x80, s20, s26, $0xb8;
	[tilespmem:$0x1E200] =	vst v63  }
0xb6: {  	_ =	swait.ge [sflag:s2], $0x2800  }
0xb7: {  	[sflag:s2] =	ssyncset.done $0x0  }
0xb8: {  	s18 =	sadd.s32 $0x16A50, s16;
	[sflag:s2] =	ssyncadd.s32 $0xFFFFD800  }
0xb9: {  	[spmem:s3] =	stream.indirect.scatter.add.f32 [tilespmem:s29], [sflag:$0x3], $0x80, s18, s26, $0xb8;
	[tilespmem:$0x1E200] =	vst v63  }
0xba: {  	_ =	swait.ge [sflag:s23], $0x2800  }
0xbb: {  	[sflag:s23] =	ssyncset.done $0x0  }
0xbc: {  	[sflag:s23] =	ssyncadd.s32 $0xFFFFD800  }
0xbd: {  	[spmem:s6] =	stream.indirect.scatter.add.f32 [tilespmem:s31], [sflag:$0x3], $0x1, s18, s26, $0xb8;
	[tilespmem:$0x1E200] =	vst v63  }
0xbe: {  	_ =	swait.ge [sflag:s23], $0x50  }
0xbf: {  	[sflag:s23] =	ssyncset.done $0x0  }
0xc0: {  	[sflag:s23] =	ssyncadd.s32 $0xFFFFFFB0  }
0xc1: {  	_ =	swait.ge [sflag:s30], $0x2800  }
0xc2: {  	[sflag:s30] =	ssyncset.done $0x0  }
0xc3: {  	[sflag:s30] =	ssyncadd.s32 $0xFFFFD800  }
0xc4: {  	[spmem:s3] =	stream.indirect.scatter.add.f32 [tilespmem:s28], [sflag:$0x3], $0x80, s5, s26, $0xb8;
	[tilespmem:$0x1E200] =	vst v63  }
0xc5: {  	_ =	swait.ge [sflag:s23], $0x2800  }
0xc6: {  	[sflag:s23] =	ssyncset.done $0x0  }
0xc7: {  	[sflag:s23] =	ssyncadd.s32 $0xFFFFD800  }
0xc8: {  	[spmem:s6] =	stream.indirect.scatter.add.f32 [tilespmem:s31], [sflag:$0x3], $0x1, s5, s26, $0xb8;
	[tilespmem:$0x1E200] =	vst v63  }
0xc9: {  	_ =	swait.ge [sflag:s23], $0x50  }
0xca: {  	[sflag:s23] =	ssyncset.done $0x0  }
0xcb: {  	[sflag:s23] =	ssyncadd.s32 $0xFFFFFFB0  }
0xcc: {  	[bflag:$0x0] =	sbarrier.arrive $0xFFFF  }
0xcd: {  	s19 =	rddreg [dreg:$0x10]  }
0xce: {  	[hbm:s19], [sflag:s9] =	dma.local [spmem:s22], $0x2800  }
0xcf: {  	_ =	swait.ge [sflag:s23], $0x2800  }
0xd0: {  	[sflag:s23] =	ssyncset.done $0x0  }
.Ltmp4:
0xd1: {  	s20 =	rddreg [dreg:$0x11];
	[sflag:s23] =	ssyncadd.s32 $0xFFFFD800;
	(pc) =	sbr.rel .LBB3_8-.Ltmp4, $4  }
0xd2: {  	[hbm:s20], [sflag:s9] =	dma.local [spmem:s12], $0x50  }
0xd3: {  	_ =	swait.ge [sflag:s23], $0x50  }
0xd4: {  	[sflag:s23] =	ssyncset.done $0x0  }
0xd5: {  	[sflag:s23] =	ssyncadd.s32 $0xFFFFFFB0  }
.LBB3_5:
0xd6: {  	[bflag:$0x0] =	sbarrier.arrive $0xFFFF;
	s16 =	simm.s32 $0x0  }
0xd7: {  	[tilespmem:s24], [sflag:$0x3] =	stream.linear.gather [hbm4b:s10+s16], $0x2710, $0x38;
	[tilespmem:$0x1E200] =	vst v63  }
0xd8: {  	_ =	swait.ge [sflag:s23], $0x2710  }
0xd9: {  	[sflag:s23] =	ssyncset.done $0x0  }
0xda: {  	[sflag:s23] =	ssyncadd.s32 $0xFFFFD8F0  }
0xdb: {  	[tilespmem:s25], [sflag:$0x3] =	stream.linear.gather [hbm4b:s11+s16], $0x2710, $0x38;
	[tilespmem:$0x1E200] =	vst v63  }
0xdc: {  	_ =	swait.ge [sflag:s23], $0x2710  }
0xdd: {  	[sflag:s23] =	ssyncset.done $0x0  }
0xde: {  	[sflag:s23] =	ssyncadd.s32 $0xFFFFD8F0  }
0xdf: {  	[tilespmem:s28], [sflag:$0x1] =	stream.indirect.gather [hbm4b:s1+s26], $0x80, s24, s26, $0xb8;
	[tilespmem:$0x1E200] =	vst v63  }
0xe0: {  	s17 =	simm.s32 $0x142D0  }
0xe1: {  	[tilespmem:s29], [sflag:$0x2] =	stream.indirect.gather [hbm4b:s1+s26], $0x80, s17, s26, $0xb8;
	[tilespmem:$0x1E200] =	vst v63  }
0xe2: {  	_ =	swait.ge [sflag:s30], $0x2800  }
0xe3: {  	[sflag:s30] =	ssyncset.done $0x0  }
0xe4: {  	s18 =	simm.s32 $0x16A00;
	[sflag:s30] =	ssyncadd.s32 $0xFFFFD800  }
0xe5: {  	[spmem:s3] =	stream.indirect.scatter.add.f32 [tilespmem:s28], [sflag:$0x3], $0x80, s18, s26, $0xb8;
	[tilespmem:$0x1E200] =	vst v63  }
0xe6: {  	_ =	swait.ge [sflag:s23], $0x2800  }
0xe7: {  	[sflag:s23] =	ssyncset.done $0x0  }
0xe8: {  	s19 =	simm.s32 $0x14320;
	[sflag:s23] =	ssyncadd.s32 $0xFFFFD800  }
0xe9: {  	[tilespmem:s28], [sflag:$0x1] =	stream.indirect.gather [hbm4b:s1+s26], $0x80, s19, s26, $0xb8;
	[tilespmem:$0x1E200] =	vst v63  }
0xea: {  	_ =	swait.ge [sflag:s2], $0x2800  }
0xeb: {  	[sflag:s2] =	ssyncset.done $0x0  }
0xec: {  	s20 =	simm.s32 $0x16A50;
	[sflag:s2] =	ssyncadd.s32 $0xFFFFD800  }
0xed: {  	[spmem:s3] =	stream.indirect.scatter.add.f32 [tilespmem:s29], [sflag:$0x3], $0x80, s20, s26, $0xb8;
	[tilespmem:$0x1E200] =	vst v63  }
0xee: {  	_ =	swait.ge [sflag:s23], $0x2800  }
0xef: {  	s16 =	simm.s32 $0xA0;
	s17 =	simm.s32 $0x500;
	[sflag:s23] =	ssyncset.done $0x0  }
.LBB3_6:
0xf0: {  	s18 =	sadd.s32 $0x142D0, s16  }
0xf1: {  	[sflag:s23] =	ssyncadd.s32 $0xFFFFD800;
	s19 =	smov.u32 s17;
	s20 =	sadd.s32 $0x280, s17  }
0xf2: {  	[tilespmem:s29], [sflag:$0x2] =	stream.indirect.gather [hbm4b:s1+s26], $0x80, s18, s26, $0xb8;
	[tilespmem:$0x1E200] =	vst v63  }
0xf3: {  	p1 =	sne.s32 s17, $0x9880;
	_ =	swait.ge [sflag:s30], $0x2800  }
0xf4: {  	[sflag:s30] =	ssyncset.done $0x0  }
0xf5: {  	s17 =	sadd.s32 $0x16A00, s16;
	[sflag:s30] =	ssyncadd.s32 $0xFFFFD800  }
0xf6: {  	[spmem:s3] =	stream.indirect.scatter.add.f32 [tilespmem:s28], [sflag:$0x3], $0x80, s17, s26, $0xb8;
	[tilespmem:$0x1E200] =	vst v63  }
0xf7: {  	_ =	swait.ge [sflag:s23], $0x2800  }
0xf8: {  	[sflag:s23] =	ssyncset.done $0x0  }
0xf9: {  	s17 =	sadd.s32 $0x14320, s16;
	[sflag:s23] =	ssyncadd.s32 $0xFFFFD800  }
0xfa: {  	[tilespmem:s28], [sflag:$0x1] =	stream.indirect.gather [hbm4b:s1+s26], $0x80, s17, s26, $0xb8;
	[tilespmem:$0x1E200] =	vst v63  }
0xfb: {  	_ =	swait.ge [sflag:s2], $0x2800  }
.Ltmp5:
0xfc: {  	[sflag:s2] =	ssyncset.done $0x0;
	(pc) =	sbr.rel @p1 .LBB3_6-.Ltmp5, $4  }
0xfd: {  	s16 =	sadd.s32 $0x16A50, s16;
	[sflag:s2] =	ssyncadd.s32 $0xFFFFD800  }
0xfe: {  	[spmem:s3] =	stream.indirect.scatter.add.f32 [tilespmem:s29], [sflag:$0x3], $0x80, s16, s26, $0xb8;
	[tilespmem:$0x1E200] =	vst v63  }
0xff: {  	_ =	swait.ge [sflag:s23], $0x2800  }
0x100: {  	s17 =	smov.u32 s20;
	s16 =	sshra.s32 s19, $0x2;
	[sflag:s23] =	ssyncset.done $0x0  }
0x101: {  	s17 =	sadd.s32 $0x142D0, s16;
	[sflag:s23] =	ssyncadd.s32 $0xFFFFD800  }
0x102: {  	[tilespmem:s29], [sflag:$0x2] =	stream.indirect.gather [hbm4b:s1+s26], $0x80, s17, s26, $0xb8;
	[tilespmem:$0x1E200] =	vst v63  }
0x103: {  	_ =	swait.ge [sflag:s30], $0x2800  }
0x104: {  	[sflag:s30] =	ssyncset.done $0x0  }
0x105: {  	s20 =	sadd.s32 $0x16A00, s16;
	[sflag:s30] =	ssyncadd.s32 $0xFFFFD800  }
0x106: {  	[spmem:s3] =	stream.indirect.scatter.add.f32 [tilespmem:s28], [sflag:$0x3], $0x80, s20, s26, $0xb8;
	[tilespmem:$0x1E200] =	vst v63  }
0x107: {  	_ =	swait.ge [sflag:s23], $0x2800  }
0x108: {  	[sflag:s23] =	ssyncset.done $0x0  }
0x109: {  	s18 =	sadd.s32 $0x14320, s16;
	[sflag:s23] =	ssyncadd.s32 $0xFFFFD800  }
0x10a: {  	[tilespmem:s28], [sflag:$0x1] =	stream.indirect.gather [hbm4b:s1+s26], $0x80, s18, s26, $0xb8;
	[tilespmem:$0x1E200] =	vst v63  }
0x10b: {  	_ =	swait.ge [sflag:s2], $0x2800  }
0x10c: {  	[sflag:s2] =	ssyncset.done $0x0  }
0x10d: {  	s19 =	sadd.s32 $0x16A50, s16;
	[sflag:s2] =	ssyncadd.s32 $0xFFFFD800  }
0x10e: {  	[spmem:s3] =	stream.indirect.scatter.add.f32 [tilespmem:s29], [sflag:$0x3], $0x80, s19, s26, $0xb8;
	[tilespmem:$0x1E200] =	vst v63  }
0x10f: {  	_ =	swait.ge [sflag:s23], $0x2800  }
0x110: {  	[sflag:s23] =	ssyncset.done $0x0  }
0x111: {  	[sflag:s23] =	ssyncadd.s32 $0xFFFFD800  }
0x112: {  	_ =	swait.ge [sflag:s30], $0x2800  }
0x113: {  	[sflag:s30] =	ssyncset.done $0x0  }
0x114: {  	[sflag:s30] =	ssyncadd.s32 $0xFFFFD800  }
0x115: {  	[spmem:s3] =	stream.indirect.scatter.add.f32 [tilespmem:s28], [sflag:$0x3], $0x80, s5, s26, $0xb8;
	[tilespmem:$0x1E200] =	vst v63  }
0x116: {  	_ =	swait.ge [sflag:s23], $0x2800  }
0x117: {  	[sflag:s23] =	ssyncset.done $0x0  }
0x118: {  	[sflag:s23] =	ssyncadd.s32 $0xFFFFD800  }
0x119: {  	[bflag:$0x0] =	sbarrier.arrive $0xFFFF  }
0x11a: {  	s20 =	rddreg [dreg:$0xf]  }
0x11b: {  	[hbm:s20], [sflag:s9] =	dma.local [spmem:s22], $0x2800  }
0x11c: {  	_ =	swait.ge [sflag:s23], $0x2800  }
0x11d: {  	[sflag:s23] =	ssyncset.done $0x0  }
0x11e: {  	[sflag:s23] =	ssyncadd.s32 $0xFFFFD800  }
.LBB3_8:
.Ltmp6:
0x11f: {  	[bflag:$0x0] =	sbarrier.arrive $0xFFFF;
	(pc) =	sbr.rel @p0 .LBB3_12-.Ltmp6, $4  }
0x120: {  	[spmem:s22], [sflag:s9] =	dma.local [hbm:s7], $0x2800  }
0x121: {  	_ =	swait.ge [sflag:s23], $0x2800  }
0x122: {  	[sflag:s23] =	ssyncset.done $0x0  }
0x123: {  	[sflag:s23] =	ssyncadd.s32 $0xFFFFD800  }
0x124: {  	[spmem:s12], [sflag:s9] =	dma.local [hbm:s8], $0x50  }
0x125: {  	_ =	swait.ge [sflag:s23], $0x50  }
0x126: {  	[sflag:s23] =	ssyncset.done $0x0  }
0x127: {  	[sflag:s23] =	ssyncadd.s32 $0xFFFFFFB0  }
0x128: {  	s16 =	simm.s32 $0x0;
	[bflag:$0x0] =	sbarrier.arrive $0xFFFF  }
0x129: {  	[tilespmem:s24], [sflag:$0x3] =	stream.linear.gather [hbm4b:s13+s16], $0x2710, $0x38;
	[tilespmem:$0x1E200] =	vst v63  }
0x12a: {  	_ =	swait.ge [sflag:s23], $0x2710  }
0x12b: {  	[sflag:s23] =	ssyncset.done $0x0  }
0x12c: {  	[sflag:s23] =	ssyncadd.s32 $0xFFFFD8F0  }
0x12d: {  	[tilespmem:s25], [sflag:$0x3] =	stream.linear.gather [hbm4b:s14+s16], $0x2710, $0x38;
	[tilespmem:$0x1E200] =	vst v63  }
0x12e: {  	_ =	swait.ge [sflag:s23], $0x2710  }
0x12f: {  	[sflag:s23] =	ssyncset.done $0x0  }
0x130: {  	[sflag:s23] =	ssyncadd.s32 $0xFFFFD8F0  }
0x131: {  	[tilespmem:s28], [sflag:$0x1] =	stream.indirect.gather [hbm4b:s0+s26], $0x80, s24, s26, $0xb8;
	[tilespmem:$0x1E200] =	vst v63  }
0x132: {  	s17 =	simm.s32 $0x142D0  }
0x133: {  	[tilespmem:s29], [sflag:$0x2] =	stream.indirect.gather [hbm4b:s0+s26], $0x80, s17, s26, $0xb8;
	[tilespmem:$0x1E200] =	vst v63  }
0x134: {  	_ =	swait.ge [sflag:s30], $0x2800  }
0x135: {  	[sflag:s30] =	ssyncset.done $0x0  }
0x136: {  	s18 =	simm.s32 $0x16A00;
	[sflag:s30] =	ssyncadd.s32 $0xFFFFD800  }
0x137: {  	[spmem:s3] =	stream.indirect.scatter.add.f32 [tilespmem:s28], [sflag:$0x3], $0x80, s18, s26, $0xb8;
	[tilespmem:$0x1E200] =	vst v63  }
0x138: {  	_ =	swait.ge [sflag:s23], $0x2800  }
0x139: {  	[sflag:s23] =	ssyncset.done $0x0  }
0x13a: {  	[sflag:s23] =	ssyncadd.s32 $0xFFFFD800  }
0x13b: {  	[spmem:s6] =	stream.indirect.scatter.add.f32 [tilespmem:s31], [sflag:$0x3], $0x1, s18, s26, $0xb8;
	[tilespmem:$0x1E200] =	vst v63  }
0x13c: {  	_ =	swait.ge [sflag:s23], $0x50  }
0x13d: {  	[sflag:s23] =	ssyncset.done $0x0  }
0x13e: {  	s19 =	simm.s32 $0x14320;
	[sflag:s23] =	ssyncadd.s32 $0xFFFFFFB0  }
0x13f: {  	[tilespmem:s28], [sflag:$0x1] =	stream.indirect.gather [hbm4b:s0+s26], $0x80, s19, s26, $0xb8;
	[tilespmem:$0x1E200] =	vst v63  }
0x140: {  	_ =	swait.ge [sflag:s2], $0x2800  }
0x141: {  	[sflag:s2] =	ssyncset.done $0x0  }
0x142: {  	s20 =	simm.s32 $0x16A50;
	[sflag:s2] =	ssyncadd.s32 $0xFFFFD800  }
0x143: {  	[spmem:s3] =	stream.indirect.scatter.add.f32 [tilespmem:s29], [sflag:$0x3], $0x80, s20, s26, $0xb8;
	[tilespmem:$0x1E200] =	vst v63  }
0x144: {  	_ =	swait.ge [sflag:s23], $0x2800  }
0x145: {  	[sflag:s23] =	ssyncset.done $0x0  }
0x146: {  	[sflag:s23] =	ssyncadd.s32 $0xFFFFD800  }
0x147: {  	[spmem:s6] =	stream.indirect.scatter.add.f32 [tilespmem:s31], [sflag:$0x3], $0x1, s20, s26, $0xb8;
	[tilespmem:$0x1E200] =	vst v63  }
0x148: {  	_ =	swait.ge [sflag:s23], $0x50  }
0x149: {  	s16 =	simm.s32 $0xA0;
	s17 =	simm.s32 $0x500;
	[sflag:s23] =	ssyncset.done $0x0  }
.LBB3_10:
0x14a: {  	s18 =	sadd.s32 $0x142D0, s16  }
0x14b: {  	[sflag:s23] =	ssyncadd.s32 $0xFFFFFFB0;
	s19 =	smov.u32 s17;
	s20 =	sadd.s32 $0x280, s17  }
0x14c: {  	[tilespmem:s29], [sflag:$0x2] =	stream.indirect.gather [hbm4b:s0+s26], $0x80, s18, s26, $0xb8;
	[tilespmem:$0x1E200] =	vst v63  }
0x14d: {  	p1 =	seq.s32 s17, $0x9880;
	_ =	swait.ge [sflag:s30], $0x2800  }
0x14e: {  	[sflag:s30] =	ssyncset.done $0x0  }
0x14f: {  	s17 =	sadd.s32 $0x16A00, s16;
	[sflag:s30] =	ssyncadd.s32 $0xFFFFD800  }
0x150: {  	[spmem:s3] =	stream.indirect.scatter.add.f32 [tilespmem:s28], [sflag:$0x3], $0x80, s17, s26, $0xb8;
	[tilespmem:$0x1E200] =	vst v63  }
0x151: {  	_ =	swait.ge [sflag:s23], $0x2800  }
0x152: {  	[sflag:s23] =	ssyncset.done $0x0  }
0x153: {  	[sflag:s23] =	ssyncadd.s32 $0xFFFFD800  }
0x154: {  	[spmem:s6] =	stream.indirect.scatter.add.f32 [tilespmem:s31], [sflag:$0x3], $0x1, s17, s26, $0xb8;
	[tilespmem:$0x1E200] =	vst v63  }
0x155: {  	_ =	swait.ge [sflag:s23], $0x50  }
0x156: {  	[sflag:s23] =	ssyncset.done $0x0  }
0x157: {  	s17 =	sadd.s32 $0x14320, s16;
	[sflag:s23] =	ssyncadd.s32 $0xFFFFFFB0  }
0x158: {  	[tilespmem:s28], [sflag:$0x1] =	stream.indirect.gather [hbm4b:s0+s26], $0x80, s17, s26, $0xb8;
	[tilespmem:$0x1E200] =	vst v63  }
0x159: {  	_ =	swait.ge [sflag:s2], $0x2800  }
0x15a: {  	[sflag:s2] =	ssyncset.done $0x0  }
0x15b: {  	s16 =	sadd.s32 $0x16A50, s16;
	[sflag:s2] =	ssyncadd.s32 $0xFFFFD800  }
0x15c: {  	[spmem:s3] =	stream.indirect.scatter.add.f32 [tilespmem:s29], [sflag:$0x3], $0x80, s16, s26, $0xb8;
	[tilespmem:$0x1E200] =	vst v63  }
0x15d: {  	_ =	swait.ge [sflag:s23], $0x2800  }
.Ltmp7:
0x15e: {  	[sflag:s23] =	ssyncset.done $0x0;
	(pc) =	sbr.rel @!p1 .LBB3_10-.Ltmp7, $4  }
0x15f: {  	[sflag:s23] =	ssyncadd.s32 $0xFFFFD800  }
0x160: {  	[spmem:s6] =	stream.indirect.scatter.add.f32 [tilespmem:s31], [sflag:$0x3], $0x1, s16, s26, $0xb8;
	[tilespmem:$0x1E200] =	vst v63  }
0x161: {  	_ =	swait.ge [sflag:s23], $0x50  }
0x162: {  	s17 =	smov.u32 s20;
	s16 =	sshra.s32 s19, $0x2;
	[sflag:s23] =	ssyncset.done $0x0  }
0x163: {  	s17 =	sadd.s32 $0x142D0, s16;
	[sflag:s23] =	ssyncadd.s32 $0xFFFFFFB0  }
0x164: {  	[tilespmem:s29], [sflag:$0x2] =	stream.indirect.gather [hbm4b:s0+s26], $0x80, s17, s26, $0xb8;
	[tilespmem:$0x1E200] =	vst v63  }
0x165: {  	_ =	swait.ge [sflag:s30], $0x2800  }
0x166: {  	[sflag:s30] =	ssyncset.done $0x0  }
0x167: {  	s19 =	sadd.s32 $0x16A00, s16;
	[sflag:s30] =	ssyncadd.s32 $0xFFFFD800  }
0x168: {  	[spmem:s3] =	stream.indirect.scatter.add.f32 [tilespmem:s28], [sflag:$0x3], $0x80, s19, s26, $0xb8;
	[tilespmem:$0x1E200] =	vst v63  }
0x169: {  	_ =	swait.ge [sflag:s23], $0x2800  }
0x16a: {  	[sflag:s23] =	ssyncset.done $0x0  }
0x16b: {  	[sflag:s23] =	ssyncadd.s32 $0xFFFFD800  }
0x16c: {  	[spmem:s6] =	stream.indirect.scatter.add.f32 [tilespmem:s31], [sflag:$0x3], $0x1, s19, s26, $0xb8;
	[tilespmem:$0x1E200] =	vst v63  }
0x16d: {  	_ =	swait.ge [sflag:s23], $0x50  }
0x16e: {  	[sflag:s23] =	ssyncset.done $0x0  }
0x16f: {  	s20 =	sadd.s32 $0x14320, s16;
	[sflag:s23] =	ssyncadd.s32 $0xFFFFFFB0  }
0x170: {  	[tilespmem:s28], [sflag:$0x1] =	stream.indirect.gather [hbm4b:s0+s26], $0x80, s20, s26, $0xb8;
	[tilespmem:$0x1E200] =	vst v63  }
0x171: {  	_ =	swait.ge [sflag:s2], $0x2800  }
0x172: {  	[sflag:s2] =	ssyncset.done $0x0  }
0x173: {  	s18 =	sadd.s32 $0x16A50, s16;
	[sflag:s2] =	ssyncadd.s32 $0xFFFFD800  }
0x174: {  	[spmem:s3] =	stream.indirect.scatter.add.f32 [tilespmem:s29], [sflag:$0x3], $0x80, s18, s26, $0xb8;
	[tilespmem:$0x1E200] =	vst v63  }
0x175: {  	_ =	swait.ge [sflag:s23], $0x2800  }
0x176: {  	[sflag:s23] =	ssyncset.done $0x0  }
0x177: {  	[sflag:s23] =	ssyncadd.s32 $0xFFFFD800  }
0x178: {  	[spmem:s6] =	stream.indirect.scatter.add.f32 [tilespmem:s31], [sflag:$0x3], $0x1, s18, s26, $0xb8;
	[tilespmem:$0x1E200] =	vst v63  }
0x179: {  	_ =	swait.ge [sflag:s23], $0x50  }
0x17a: {  	[sflag:s23] =	ssyncset.done $0x0  }
0x17b: {  	[sflag:s23] =	ssyncadd.s32 $0xFFFFFFB0  }
0x17c: {  	_ =	swait.ge [sflag:s30], $0x2800  }
0x17d: {  	[sflag:s30] =	ssyncset.done $0x0  }
0x17e: {  	[sflag:s30] =	ssyncadd.s32 $0xFFFFD800  }
0x17f: {  	[spmem:s3] =	stream.indirect.scatter.add.f32 [tilespmem:s28], [sflag:$0x3], $0x80, s5, s26, $0xb8;
	[tilespmem:$0x1E200] =	vst v63  }
0x180: {  	_ =	swait.ge [sflag:s23], $0x2800  }
0x181: {  	[sflag:s23] =	ssyncset.done $0x0  }
0x182: {  	[sflag:s23] =	ssyncadd.s32 $0xFFFFD800  }
0x183: {  	[spmem:s6] =	stream.indirect.scatter.add.f32 [tilespmem:s31], [sflag:$0x3], $0x1, s5, s26, $0xb8;
	[tilespmem:$0x1E200] =	vst v63  }
0x184: {  	_ =	swait.ge [sflag:s23], $0x50  }
0x185: {  	[sflag:s23] =	ssyncset.done $0x0  }
0x186: {  	[sflag:s23] =	ssyncadd.s32 $0xFFFFFFB0  }
0x187: {  	[bflag:$0x0] =	sbarrier.arrive $0xFFFF  }
0x188: {  	s19 =	rddreg [dreg:$0x13]  }
0x189: {  	[hbm:s19], [sflag:s9] =	dma.local [spmem:s22], $0x2800  }
0x18a: {  	_ =	swait.ge [sflag:s23], $0x2800  }
0x18b: {  	[sflag:s23] =	ssyncset.done $0x0  }
.Ltmp8:
0x18c: {  	s20 =	rddreg [dreg:$0x14];
	[sflag:s23] =	ssyncadd.s32 $0xFFFFD800;
	(pc) =	sbr.rel .LBB3_15-.Ltmp8, $4  }
0x18d: {  	[hbm:s20], [sflag:s9] =	dma.local [spmem:s12], $0x50  }
0x18e: {  	_ =	swait.ge [sflag:s23], $0x50  }
0x18f: {  	[sflag:s23] =	ssyncset.done $0x0  }
0x190: {  	[sflag:s23] =	ssyncadd.s32 $0xFFFFFFB0  }
.LBB3_12:
0x191: {  	[bflag:$0x0] =	sbarrier.arrive $0xFFFF;
	s12 =	simm.s32 $0x0  }
0x192: {  	[tilespmem:s24], [sflag:$0x3] =	stream.linear.gather [hbm4b:s13+s12], $0x2710, $0x38;
	[tilespmem:$0x1E200] =	vst v63  }
0x193: {  	_ =	swait.ge [sflag:s23], $0x2710  }
0x194: {  	[sflag:s23] =	ssyncset.done $0x0  }
0x195: {  	[sflag:s23] =	ssyncadd.s32 $0xFFFFD8F0  }
0x196: {  	[tilespmem:s25], [sflag:$0x3] =	stream.linear.gather [hbm4b:s14+s12], $0x2710, $0x38;
	[tilespmem:$0x1E200] =	vst v63  }
0x197: {  	_ =	swait.ge [sflag:s23], $0x2710  }
0x198: {  	[sflag:s23] =	ssyncset.done $0x0  }
0x199: {  	[sflag:s23] =	ssyncadd.s32 $0xFFFFD8F0  }
0x19a: {  	[tilespmem:s28], [sflag:$0x1] =	stream.indirect.gather [hbm4b:s1+s26], $0x80, s24, s26, $0xb8;
	[tilespmem:$0x1E200] =	vst v63  }
0x19b: {  	s17 =	simm.s32 $0x142D0  }
0x19c: {  	[tilespmem:s29], [sflag:$0x2] =	stream.indirect.gather [hbm4b:s1+s26], $0x80, s17, s26, $0xb8;
	[tilespmem:$0x1E200] =	vst v63  }
0x19d: {  	_ =	swait.ge [sflag:s30], $0x2800  }
0x19e: {  	[sflag:s30] =	ssyncset.done $0x0  }
0x19f: {  	s18 =	simm.s32 $0x16A00;
	[sflag:s30] =	ssyncadd.s32 $0xFFFFD800  }
0x1a0: {  	[spmem:s3] =	stream.indirect.scatter.add.f32 [tilespmem:s28], [sflag:$0x3], $0x80, s18, s26, $0xb8;
	[tilespmem:$0x1E200] =	vst v63  }
0x1a1: {  	_ =	swait.ge [sflag:s23], $0x2800  }
0x1a2: {  	[sflag:s23] =	ssyncset.done $0x0  }
0x1a3: {  	s19 =	simm.s32 $0x14320;
	[sflag:s23] =	ssyncadd.s32 $0xFFFFD800  }
0x1a4: {  	[tilespmem:s28], [sflag:$0x1] =	stream.indirect.gather [hbm4b:s1+s26], $0x80, s19, s26, $0xb8;
	[tilespmem:$0x1E200] =	vst v63  }
0x1a5: {  	_ =	swait.ge [sflag:s2], $0x2800  }
0x1a6: {  	[sflag:s2] =	ssyncset.done $0x0  }
0x1a7: {  	s20 =	simm.s32 $0x16A50;
	[sflag:s2] =	ssyncadd.s32 $0xFFFFD800  }
0x1a8: {  	[spmem:s3] =	stream.indirect.scatter.add.f32 [tilespmem:s29], [sflag:$0x3], $0x80, s20, s26, $0xb8;
	[tilespmem:$0x1E200] =	vst v63  }
0x1a9: {  	_ =	swait.ge [sflag:s23], $0x2800  }
0x1aa: {  	s16 =	simm.s32 $0x500;
	s12 =	simm.s32 $0xA0;
	[sflag:s23] =	ssyncset.done $0x0  }
.LBB3_13:
0x1ab: {  	s17 =	sadd.s32 $0x142D0, s12  }
0x1ac: {  	[sflag:s23] =	ssyncadd.s32 $0xFFFFD800;
	s18 =	smov.u32 s16;
	s19 =	sadd.s32 $0x280, s16  }
0x1ad: {  	[tilespmem:s29], [sflag:$0x2] =	stream.indirect.gather [hbm4b:s1+s26], $0x80, s17, s26, $0xb8;
	[tilespmem:$0x1E200] =	vst v63  }
0x1ae: {  	p1 =	sne.s32 s16, $0x9880;
	_ =	swait.ge [sflag:s30], $0x2800  }
0x1af: {  	[sflag:s30] =	ssyncset.done $0x0  }
0x1b0: {  	s16 =	sadd.s32 $0x16A00, s12;
	[sflag:s30] =	ssyncadd.s32 $0xFFFFD800  }
0x1b1: {  	[spmem:s3] =	stream.indirect.scatter.add.f32 [tilespmem:s28], [sflag:$0x3], $0x80, s16, s26, $0xb8;
	[tilespmem:$0x1E200] =	vst v63  }
0x1b2: {  	_ =	swait.ge [sflag:s23], $0x2800  }
0x1b3: {  	[sflag:s23] =	ssyncset.done $0x0  }
0x1b4: {  	s16 =	sadd.s32 $0x14320, s12;
	[sflag:s23] =	ssyncadd.s32 $0xFFFFD800  }
0x1b5: {  	[tilespmem:s28], [sflag:$0x1] =	stream.indirect.gather [hbm4b:s1+s26], $0x80, s16, s26, $0xb8;
	[tilespmem:$0x1E200] =	vst v63  }
0x1b6: {  	_ =	swait.ge [sflag:s2], $0x2800  }
.Ltmp9:
0x1b7: {  	[sflag:s2] =	ssyncset.done $0x0;
	(pc) =	sbr.rel @p1 .LBB3_13-.Ltmp9, $4  }
0x1b8: {  	s12 =	sadd.s32 $0x16A50, s12;
	[sflag:s2] =	ssyncadd.s32 $0xFFFFD800  }
0x1b9: {  	[spmem:s3] =	stream.indirect.scatter.add.f32 [tilespmem:s29], [sflag:$0x3], $0x80, s12, s26, $0xb8;
	[tilespmem:$0x1E200] =	vst v63  }
0x1ba: {  	_ =	swait.ge [sflag:s23], $0x2800  }
0x1bb: {  	s16 =	smov.u32 s19;
	s12 =	sshra.s32 s18, $0x2;
	[sflag:s23] =	ssyncset.done $0x0  }
.Ltmp10:
0x1bc: {  	_ = 	snop;
	(pc) =	sbr.rel .LBB3_14-.Ltmp10, $1  }
0x1bd: {  	_ =	sdelay $0x3  }
.LBB3_16:
0x1be: {  	_ =	sfence.sel $0x180000  }
0x1bf: {  	[bflag:$0x0] =	sbarrier.arrive $0xFFFF  }
0x1c0: {  	_ =	strace $0x90000047  }
0x1c1: {  	s0 =	stileid.u32;
	[bflag:$0x2] =	sbarrier.arrive $0xFFFF  }
0x1c2: {  	p0 =	sne.s32 s0, $0x0;
	s0 =	rddreg [dreg:$0xe]  }
0x1c3: {  	s0 =	sadd.s32 @!p0 $0x100000, s0  }
0x1c4: {  	[sflag:s0] =	ssyncadd.tile.s32 @!p0 $0x1;
	_ =	shalt  }
.Lfunc_end3:
_tile_overlayer_lowered:
.L_overlay_start_3:
0x1c5: {  	(tag) =	ssettag $0x3  }
0x1c6: {  	s0 =	rddreg [dreg:$0x0];
	s2 =	stileid.u32  }
0x1c7: {  	s1 =	rddreg [dreg:$0x1];
	p0 =	sne.s32 s2, $0x0  }
0x1c8: {  	s3 =	rddreg [dreg:$0x2];
	[bflag:$0x3] =	sbarrier.arrive $0xFFFF;
	s2 =	simm.s32 @!p0 $0x1C03  }
0x1c9: {  	[timem:s3], [sflag:s2] =	dma.local @!p0 [hbm:s0], s1  }
0x1ca: {  	s0 =	simm.s32 @!p0 $0x3  }
0x1cb: {  	_ =	swait.ge @!p0 [sflag:s0], s1  }
0x1cc: {  	s1 =	ssub.s32 @!p0 $0x0, s1;
	[sflag:s0] =	ssyncset.done @!p0 $0x0  }
0x1cd: {  	[sflag:s0] =	ssyncadd.s32 @!p0 s1  }
0x1ce: {  	[bflag:$0x3] =	sbarrier.arrive $0xFFFF  }
0x1cf: {  	_ =	shalt  }

</sc_bundles>
